<compile_context>
chip_gen: v7x
topology: tpu7x:2x2x1
jax: 0.10.2.dev20260603
libtpu: 0.0.44.dev20260713+nightly
codegen_flags: <defaults>
</compile_context>

<pallas_src>
import functools
import numpy as np
import jax
import jax.numpy as jnp
from jax.experimental import pallas as pl
from jax.experimental.pallas import tpu as pltpu
from jax.experimental.pallas import tpu_sc as plsc

ENC = 512
NODES = 63
LEVELS = [
    [62, 46, 38, 54, 34, 42, 50, 58, 32, 36, 40, 44, 48, 52, 56, 60],
    [30, 22, 18, 26, 16, 20, 24, 28],
    [14, 10, 8, 12],
    [6, 4],
    [2],
    [0],
]
BATCH = 16
NROWS = 512
NCORES = 2
NSUB = 16
NW = NCORES * NSUB
BPW = NROWS // NW

ORDER_FLAT = np.array([b * NODES + nd for level in LEVELS for nd in level
                       for b in range(BATCH)], dtype=np.int32)


def _sc_gather(tokens_flat, emb, order):
    mesh = plsc.VectorSubcoreMesh(core_axis_name="c", subcore_axis_name="s")

    @functools.partial(
        pl.kernel,
        mesh=mesh,
        out_type=jax.ShapeDtypeStruct((NROWS, ENC), jnp.float32),
        scratch_types=[
            pltpu.VMEM((BPW,), jnp.int32),
            pltpu.VMEM((BPW,), jnp.int32),
            pltpu.VMEM((BPW, ENC), jnp.float32),
            pltpu.SemaphoreType.DMA,
        ],
    )
    def gather_kernel(order_hbm, tok_hbm, emb_hbm, out_hbm,
                      ord_v, ids_v, rows_v, sem):
        wid = jax.lax.axis_index("s") * NCORES + jax.lax.axis_index("c")
        base = wid * BPW
        pltpu.sync_copy(order_hbm.at[pl.ds(base, BPW)], ord_v)
        pltpu.async_copy(tok_hbm.at[ord_v], ids_v, sem).wait()
        pltpu.async_copy(emb_hbm.at[ids_v], rows_v, sem).wait()
        pltpu.sync_copy(rows_v, out_hbm.at[pl.ds(base, BPW)])

    return gather_kernel(order, tokens_flat, emb)


_DN_T = (((1,), (1,)), ((), ()))


def _compute_body(x_ref, wih_ref, whh_hbm, bih_ref, bhh_ref, sw_hbm, sb_ref,
                  cw_ref, out_ref, whh_vmem, sw_vmem, sem_whh, sem_sw, B):
    whh_copy = pltpu.make_async_copy(whh_hbm, whh_vmem, sem_whh)
    sw_copy = pltpu.make_async_copy(sw_hbm, sw_vmem, sem_sw)
    whh_copy.start()
    sw_copy.start()

    b_ih = jnp.reshape(bih_ref[...], (1, 3 * ENC))
    b_hh = jnp.reshape(bhh_ref[...], (1, 3 * ENC))
    gi_all = jax.lax.dot_general(x_ref[...], wih_ref[...], _DN_T,
                                 preferred_element_type=jnp.float32) + b_ih
    sw_copy.wait()
    whh_copy.wait()
    sw = sw_vmem[...]
    sb = sb_ref[...]
    cw = cw_ref[...]
    c0 = jnp.dot(jnp.tanh(sb), cw, preferred_element_type=jnp.float32)

    out = jnp.zeros((B, ENC), dtype=jnp.float32)
    off = 0
    h_prev = None
    for s, level in enumerate(LEVELS):
        n = len(level) * B
        gi = gi_all[off:off + n]
        if s == 0:
            c = jnp.zeros((n, ENC), dtype=jnp.float32)
            gh = jnp.broadcast_to(b_hh, (n, 3 * ENC))
        else:
            h_child = h_prev[:n]
            t = jnp.tanh(jnp.dot(h_child, sw,
                                 preferred_element_type=jnp.float32) + sb)
            l = jnp.tanh(jnp.dot(t, cw, preferred_element_type=jnp.float32))
            k = 15.0 if s == len(LEVELS) - 1 else 1.0
            gate = 1.0 / (1.0 + k * jnp.exp(c0 - l))
            c = h_child * gate
            gh = jax.lax.dot_general(c, whh_vmem[...], _DN_T,
                                     preferred_element_type=jnp.float32) + b_hh
        i_r = gi[:, 0:ENC]
        i_z = gi[:, ENC:2 * ENC]
        i_n = gi[:, 2 * ENC:3 * ENC]
        h_r = gh[:, 0:ENC]
        h_z = gh[:, ENC:2 * ENC]
        h_n = gh[:, 2 * ENC:3 * ENC]
        r = jax.nn.sigmoid(i_r + h_r)
        z = jax.nn.sigmoid(i_z + h_z)
        nn_ = jnp.tanh(i_n + r * h_n)
        h = (1.0 - z) * nn_ + z * c
        for i in range(len(level)):
            out = jnp.maximum(out, h[i * B:(i + 1) * B])
        h_prev = h
        off += n
    out_ref[...] = jnp.maximum(out, 0.0)


@jax.jit
def _run(tokens, emb, W_ih, W_hh, b_ih, b_hh, sent_weight, sent_bias,
         context_weight):
    B = tokens.shape[0]
    order = jnp.asarray(ORDER_FLAT)
    x = _sc_gather(tokens.reshape(-1), emb, order)

    vm = pltpu.MemorySpace.VMEM
    hbm = pltpu.MemorySpace.HBM
    out = pl.pallas_call(
        functools.partial(_compute_body, B=B),
        in_specs=[
            pl.BlockSpec(memory_space=vm),
            pl.BlockSpec(memory_space=vm),
            pl.BlockSpec(memory_space=hbm),
            pl.BlockSpec(memory_space=vm),
            pl.BlockSpec(memory_space=vm),
            pl.BlockSpec(memory_space=hbm),
            pl.BlockSpec(memory_space=vm),
            pl.BlockSpec(memory_space=vm),
        ],
        scratch_shapes=[
            pltpu.VMEM((3 * ENC, ENC), jnp.float32),
            pltpu.VMEM((ENC, ENC), jnp.float32),
            pltpu.SemaphoreType.DMA,
            pltpu.SemaphoreType.DMA,
        ],
        out_shape=jax.ShapeDtypeStruct((B, ENC), jnp.float32),
    )(x, W_ih, W_hh, b_ih, b_hh, sent_weight, sent_bias, context_weight)
    return out


def kernel(tokens, bs, emb, W_ih, W_hh, b_ih, b_hh, sent_weight, sent_bias,
           context_weight):
    del bs
    return _run(tokens, emb, W_ih, W_hh, b_ih, b_hh, sent_weight,
                sent_bias, context_weight)

# --- scband reference (transcript-rebuilt; emitter-appended) ---
"""Pipeline reference for scband-batch-tree-encoder-84645215470007 (READ-ONLY COPY).

The authoritative reference and input builder live on the scoring server;
editing this copy changes nothing except your own understanding.
"""

import jax, jax.numpy as jnp
import numpy as np

VOCAB = 20000
EMB_DIM = 512
ENC_DIM = 512
BS = 16
N_NODES = 63  # perfect binary tree, 6 levels, level-order indexing


def setup_inputs(seed: int = 0):
    key = jax.random.key(seed)
    ks = [jax.random.fold_in(key, i) for i in range(10)]
    lim = 1.0 / np.sqrt(ENC_DIM)
    return {
        "tokens": jax.random.randint(ks[0], (BS, N_NODES), 0, VOCAB, dtype=jnp.int32),
        "bs": BS,
        "emb": jax.random.normal(ks[1], (VOCAB, EMB_DIM), dtype=jnp.float32),
        "W_ih": jax.random.uniform(ks[2], (3 * ENC_DIM, EMB_DIM), minval=-lim, maxval=lim),
        "W_hh": jax.random.uniform(ks[3], (3 * ENC_DIM, ENC_DIM), minval=-lim, maxval=lim),
        "b_ih": jax.random.uniform(ks[4], (3 * ENC_DIM,), minval=-lim, maxval=lim),
        "b_hh": jax.random.uniform(ks[5], (3 * ENC_DIM,), minval=-lim, maxval=lim),
        "sent_weight": 0.05 * jax.random.normal(ks[6], (ENC_DIM, ENC_DIM)),
        "sent_bias": 0.05 * jax.random.normal(ks[7], (1, ENC_DIM)),
        "context_weight": 0.05 * jax.random.normal(ks[8], (ENC_DIM, 1)),
    }


def _children(j):
    # perfect binary tree in level order
    return [2 * j + 1, 2 * j + 2] if 2 * j + 2 < N_NODES else None


def _gru_cell(x, h, W_ih, W_hh, b_ih, b_hh):
    # torch nn.GRU single-step, gate order (r, z, n)
    gi = x @ W_ih.T + b_ih
    gh = h @ W_hh.T + b_hh
    i_r, i_z, i_n = jnp.split(gi, 3, axis=1)
    h_r, h_z, h_n = jnp.split(gh, 3, axis=1)
    r = jax.nn.sigmoid(i_r + h_r)
    z = jax.nn.sigmoid(i_z + h_z)
    n = jnp.tanh(i_n + r * h_n)
    return (1.0 - z) * n + z * h


def _traverse(nodes, batch_index, tokens, params, bs, node_list):
    emb, W_ih, W_hh, b_ih, b_hh, sw, sb, cwp = params
    size = len(nodes)
    rows = jnp.array([s for s, _ in nodes])
    cols = jnp.array([j for _, j in nodes])
    batch_current = emb[tokens[rows, cols]]
    childs_sum = jnp.zeros((size, ENC_DIM), dtype=jnp.float32)
    hidden_per_child = []
    for i, (s, j) in enumerate(nodes):
        ch = _children(j)
        if ch is None:
            continue
        child_nodes = [(s, c) for c in ch]
        child_bidx = [batch_index[i]] * len(ch)
        tree = _traverse(child_nodes, child_bidx, tokens, params, bs, node_list)
        cur = jnp.zeros((size, ENC_DIM), dtype=jnp.float32)
        for pos in range(len(ch)):
            # torch index_copy with duplicate indices -> last write wins
            cur = cur.at[i].set(tree[pos])
        childs_sum = childs_sum + cur
        hidden_per_child.append(cur)
    if hidden_per_child:
        chs = jnp.stack(hidden_per_child)              # [P, size, H]
        w = jnp.tanh(chs @ sw + sb)                    # matrix_mul with bias
        w = jnp.tanh(w @ cwp)                          # [P, size, 1]
        w = jnp.transpose(w[..., 0], (1, 0))           # [size, P]
        w = jax.nn.softmax(w, axis=-1)
        w = jnp.transpose(w, (1, 0))                   # [P, size]
        childs_sum = jnp.sum(chs * w[:, :, None], axis=0)  # element_wise_mul
    hn = _gru_cell(batch_current, childs_sum, W_ih, W_hh, b_ih, b_hh)
    nd = jnp.zeros((bs, ENC_DIM), dtype=jnp.float32)
    for pos, bi in enumerate(batch_index):
        nd = nd.at[bi].set(hn[pos])  # last write wins on duplicates
    node_list.append(nd)
    return hn


def reference(tokens, bs, emb, W_ih, W_hh, b_ih, b_hh, sent_weight, sent_bias, context_weight):
    params = (emb, W_ih, W_hh, b_ih, b_hh, sent_weight, sent_bias, context_weight)
    bs_static = tokens.shape[0]
    node_list = []
    roots = [(s, 0) for s in range(bs_static)]
    _traverse(roots, list(range(bs_static)), tokens, params, bs_static, node_list)
    out = jnp.max(jnp.stack(node_list), axis=0)
    return out + jnp.zeros_like(out) * bs

if __name__ == "__main__":
    import jax
    _d = setup_inputs()
    print(jax.jit(kernel)(*tuple(_d.values())))

</pallas_src>

<mosaic_0001>
#map = affine_map<(d0, d1) -> (0)>
#map1 = affine_map<(d0, d1) -> (0, 0)>
module attributes {stable_mosaic.version = 14 : i64} {
  func.func @gather_kernel(%arg0: i32, %arg1: i32, %arg2: memref<512xi32, #tpu.memory_space<hbm>>, %arg3: memref<1008xi32, #tpu.memory_space<hbm>>, %arg4: memref<20000x512xf32, #tpu.memory_space<hbm>>, %arg5: memref<512x512xf32, #tpu.memory_space<hbm>>, %arg6: memref<16xi32, #tpu.memory_space<vmem>>, %arg7: memref<16xi32, #tpu.memory_space<vmem>>, %arg8: memref<16x512xf32, #tpu.memory_space<vmem>>, %arg9: memref<!tpu.dma_semaphore, #tpu.memory_space<semaphore_mem>>) attributes {dimension_semantics = [#tpu.dimension_semantics<core_parallel>, #tpu.dimension_semantics<subcore_parallel>], iteration_bounds = array<i64: 2, 16>, scalar_prefetch = 0 : i64, scratch_operands = 4 : i64, tpu.core_type = #tpu.core_type<sc_vector_subcore>, window_params = [{transform_indices = #map}, {transform_indices = #map}, {transform_indices = #map1}, {transform_indices = #map1}]} {
    %mul3A = arith.constant 2 : i32
    %mul3A_0 = arith.muli %arg1, %mul3A : i32
    %add3A = arith.addi %mul3A_0, %arg0 : i32
    %mul3A_1 = arith.constant 16 : i32
    %mul3A_2 = arith.muli %add3A, %mul3A_1 : i32
    "tpu.region"() ({
      %run_scoped3A = tpu.sem_alloc : memref<!tpu.dma_semaphore, #tpu.memory_space<semaphore_mem>>
      %dma_start3A_11 = tpu.memref_slice %arg2[%mul3A_2] : memref<512xi32, #tpu.memory_space<hbm>> -> memref<16xi32, #tpu.memory_space<hbm>>
      %dma_start3A_12 = tpu.memref_slice %arg2[%mul3A_2] : memref<512xi32, #tpu.memory_space<hbm>> -> memref<16xi32, #tpu.memory_space<hbm>>
      tpu.enqueue_dma source(%dma_start3A_12 : memref<16xi32, #tpu.memory_space<hbm>>) target(%arg6 : memref<16xi32, #tpu.memory_space<vmem>>) target_semaphore(%run_scoped3A : memref<!tpu.dma_semaphore, #tpu.memory_space<semaphore_mem>>)
      %dma_wait3A_13 = tpu.memref_slice %arg2[%mul3A_2] : memref<512xi32, #tpu.memory_space<hbm>> -> memref<16xi32, #tpu.memory_space<hbm>>
      %dma_wait3A_14 = tpu.memref_slice %arg2[%mul3A_2] : memref<512xi32, #tpu.memory_space<hbm>> -> memref<16xi32, #tpu.memory_space<hbm>>
      tpu.wait_dma2 semaphore(%run_scoped3A : memref<!tpu.dma_semaphore, #tpu.memory_space<semaphore_mem>>) src(%dma_wait3A_14 : memref<16xi32, #tpu.memory_space<hbm>>) dst(%arg6 : memref<16xi32, #tpu.memory_space<vmem>>)
      tpu.yield
    }) : () -> ()
    %dma_start3A = arith.constant 0 : i32
    %dma_start3A_3 = tpu.memref_slice %arg3[%dma_start3A] : memref<1008xi32, #tpu.memory_space<hbm>> -> memref<1008xi32, #tpu.memory_space<hbm>>
    tpu.enqueue_indirect_dma source(%dma_start3A_3 : memref<1008xi32, #tpu.memory_space<hbm>>) target(%arg7 : memref<16xi32, #tpu.memory_space<vmem>>) offsets(%arg6 : memref<16xi32, #tpu.memory_space<vmem>>) semaphore(%arg9 : memref<!tpu.dma_semaphore, #tpu.memory_space<semaphore_mem>>)
    %dma_wait3A = arith.constant 0 : i32
    %dma_wait3A_4 = tpu.memref_slice %arg3[%dma_wait3A] : memref<1008xi32, #tpu.memory_space<hbm>> -> memref<1008xi32, #tpu.memory_space<hbm>>
    tpu.wait_indirect_dma semaphore(%arg9 : memref<!tpu.dma_semaphore, #tpu.memory_space<semaphore_mem>>) src(%dma_wait3A_4 : memref<1008xi32, #tpu.memory_space<hbm>>) dst(%arg7 : memref<16xi32, #tpu.memory_space<vmem>>)
    %dma_start3A_5 = arith.constant 0 : i32
    %dma_start3A_6 = arith.constant 0 : i32
    %dma_start3A_7 = tpu.memref_slice %arg4[%dma_start3A_5, %dma_start3A_6] : memref<20000x512xf32, #tpu.memory_space<hbm>> -> memref<20000x512xf32, #tpu.memory_space<hbm>>
    tpu.enqueue_indirect_dma source(%dma_start3A_7 : memref<20000x512xf32, #tpu.memory_space<hbm>>) target(%arg8 : memref<16x512xf32, #tpu.memory_space<vmem>>) offsets(%arg7 : memref<16xi32, #tpu.memory_space<vmem>>) semaphore(%arg9 : memref<!tpu.dma_semaphore, #tpu.memory_space<semaphore_mem>>)
    %dma_wait3A_8 = arith.constant 0 : i32
    %dma_wait3A_9 = arith.constant 0 : i32
    %dma_wait3A_10 = tpu.memref_slice %arg4[%dma_wait3A_8, %dma_wait3A_9] : memref<20000x512xf32, #tpu.memory_space<hbm>> -> memref<20000x512xf32, #tpu.memory_space<hbm>>
    tpu.wait_indirect_dma semaphore(%arg9 : memref<!tpu.dma_semaphore, #tpu.memory_space<semaphore_mem>>) src(%dma_wait3A_10 : memref<20000x512xf32, #tpu.memory_space<hbm>>) dst(%arg8 : memref<16x512xf32, #tpu.memory_space<vmem>>)
    "tpu.region"() ({
      %run_scoped3A = tpu.sem_alloc : memref<!tpu.dma_semaphore, #tpu.memory_space<semaphore_mem>>
      %dma_start3A_11 = arith.constant 0 : i32
      %dma_start3A_12 = tpu.memref_slice %arg5[%mul3A_2, %dma_start3A_11] : memref<512x512xf32, #tpu.memory_space<hbm>> -> memref<16x512xf32, #tpu.memory_space<hbm>>
      %dma_start3A_13 = arith.constant 0 : i32
      %dma_start3A_14 = tpu.memref_slice %arg5[%mul3A_2, %dma_start3A_13] : memref<512x512xf32, #tpu.memory_space<hbm>> -> memref<16x512xf32, #tpu.memory_space<hbm>>
      tpu.enqueue_dma source(%arg8 : memref<16x512xf32, #tpu.memory_space<vmem>>) target(%dma_start3A_14 : memref<16x512xf32, #tpu.memory_space<hbm>>) target_semaphore(%run_scoped3A : memref<!tpu.dma_semaphore, #tpu.memory_space<semaphore_mem>>)
      %dma_wait3A_15 = arith.constant 0 : i32
      %dma_wait3A_16 = tpu.memref_slice %arg5[%mul3A_2, %dma_wait3A_15] : memref<512x512xf32, #tpu.memory_space<hbm>> -> memref<16x512xf32, #tpu.memory_space<hbm>>
      %dma_wait3A_17 = arith.constant 0 : i32
      %dma_wait3A_18 = tpu.memref_slice %arg5[%mul3A_2, %dma_wait3A_17] : memref<512x512xf32, #tpu.memory_space<hbm>> -> memref<16x512xf32, #tpu.memory_space<hbm>>
      tpu.wait_dma2 semaphore(%run_scoped3A : memref<!tpu.dma_semaphore, #tpu.memory_space<semaphore_mem>>) src(%arg8 : memref<16x512xf32, #tpu.memory_space<vmem>>) dst(%dma_wait3A_18 : memref<16x512xf32, #tpu.memory_space<hbm>>)
      tpu.yield
    }) : () -> ()
    return
  }
}

module attributes {stable_mosaic.version = 14 : i64} {
  func.func @_compute_body(%arg0: memref<512x512xf32, #tpu.memory_space<vmem>>, %arg1: memref<1536x512xf32, #tpu.memory_space<vmem>>, %arg2: memref<1536x512xf32, #tpu.memory_space<hbm>>, %arg3: memref<1536xf32, #tpu.memory_space<vmem>>, %arg4: memref<1536xf32, #tpu.memory_space<vmem>>, %arg5: memref<512x512xf32, #tpu.memory_space<hbm>>, %arg6: memref<1x512xf32, #tpu.memory_space<vmem>>, %arg7: memref<512x1xf32, #tpu.memory_space<vmem>>, %arg8: memref<16x512xf32, #tpu.memory_space<vmem>>, %arg9: memref<1536x512xf32, #tpu.memory_space<vmem>>, %arg10: memref<512x512xf32, #tpu.memory_space<vmem>>, %arg11: memref<!tpu.dma_semaphore, #tpu.memory_space<semaphore_mem>>, %arg12: memref<!tpu.dma_semaphore, #tpu.memory_space<semaphore_mem>>) attributes {dimension_semantics = [], scalar_prefetch = 0 : i64, scratch_operands = 4 : i64, tpu.core_type = #tpu.core_type<tc>} {
    tpu.enqueue_dma source(%arg2 : memref<1536x512xf32, #tpu.memory_space<hbm>>) target(%arg9 : memref<1536x512xf32, #tpu.memory_space<vmem>>) target_semaphore(%arg11 : memref<!tpu.dma_semaphore, #tpu.memory_space<semaphore_mem>>)
    tpu.enqueue_dma source(%arg5 : memref<512x512xf32, #tpu.memory_space<hbm>>) target(%arg10 : memref<512x512xf32, #tpu.memory_space<vmem>>) target_semaphore(%arg12 : memref<!tpu.dma_semaphore, #tpu.memory_space<semaphore_mem>>)
    %get3A = arith.constant 0 : index
    %get3A_0 = vector.load %arg3[%get3A] : memref<1536xf32, #tpu.memory_space<vmem>>, vector<1536xf32>
    %reshape3A = vector.shape_cast %get3A_0 : vector<1536xf32> to vector<1x1536xf32>
    %get3A_1 = arith.constant 0 : index
    %get3A_2 = vector.load %arg4[%get3A_1] : memref<1536xf32, #tpu.memory_space<vmem>>, vector<1536xf32>
    %reshape3A_3 = vector.shape_cast %get3A_2 : vector<1536xf32> to vector<1x1536xf32>
    %get3A_4 = arith.constant 0 : index
    %get3A_5 = arith.constant 0 : index
    %get3A_6 = vector.load %arg0[%get3A_4, %get3A_5] : memref<512x512xf32, #tpu.memory_space<vmem>>, vector<512x512xf32>
    %get3A_7 = arith.constant 0 : index
    %get3A_8 = arith.constant 0 : index
    %get3A_9 = vector.load %arg1[%get3A_7, %get3A_8] : memref<1536x512xf32, #tpu.memory_space<vmem>>, vector<1536x512xf32>
    %dot_general3A = arith.constant dense<0.000000e+00> : vector<512x1536xf32>
    %dot_general3A_10 = tpu.matmul %get3A_6, %get3A_9, %dot_general3A {dimension_numbers = #tpu.dot_dimension_numbers<[1], [1], [0], [0], [0, 0, 1, 0], [], []>, transpose_lhs_hint = false} : vector<512x512xf32>, vector<1536x512xf32>, vector<512x1536xf32> -> vector<512x1536xf32>
    %add3A = vector.broadcast %reshape3A : vector<1x1536xf32> to vector<512x1536xf32>
    %add3A_11 = arith.addf %dot_general3A_10, %add3A : vector<512x1536xf32>
    tpu.wait_dma2 semaphore(%arg12 : memref<!tpu.dma_semaphore, #tpu.memory_space<semaphore_mem>>) src(%arg5 : memref<512x512xf32, #tpu.memory_space<hbm>>) dst(%arg10 : memref<512x512xf32, #tpu.memory_space<vmem>>)
    tpu.wait_dma2 semaphore(%arg11 : memref<!tpu.dma_semaphore, #tpu.memory_space<semaphore_mem>>) src(%arg2 : memref<1536x512xf32, #tpu.memory_space<hbm>>) dst(%arg9 : memref<1536x512xf32, #tpu.memory_space<vmem>>)
    %get3A_12 = arith.constant 0 : index
    %get3A_13 = arith.constant 0 : index
    %get3A_14 = vector.load %arg10[%get3A_12, %get3A_13] : memref<512x512xf32, #tpu.memory_space<vmem>>, vector<512x512xf32>
    %get3A_15 = arith.constant 0 : index
    %get3A_16 = arith.constant 0 : index
    %get3A_17 = vector.load %arg6[%get3A_15, %get3A_16] : memref<1x512xf32, #tpu.memory_space<vmem>>, vector<1x512xf32>
    %get3A_18 = arith.constant 0 : index
    %get3A_19 = arith.constant 0 : index
    %get3A_20 = vector.load %arg7[%get3A_18, %get3A_19] : memref<512x1xf32, #tpu.memory_space<vmem>>, vector<512x1xf32>
    %tanh3A = math.tanh %get3A_17 : vector<1x512xf32>
    %dot_general3A_21 = arith.constant dense<0.000000e+00> : vector<1x1xf32>
    %dot_general3A_22 = tpu.matmul %tanh3A, %get3A_20, %dot_general3A_21 {dimension_numbers = #tpu.dot_dimension_numbers<[1], [0], [0], [1], [0, 0, 1, 1], [], []>, transpose_lhs_hint = false} : vector<1x512xf32>, vector<512x1xf32>, vector<1x1xf32> -> vector<1x1xf32>
    %broadcast_in_dim3A = arith.constant 0.000000e+00 : f32
    %broadcast_in_dim3A_23 = vector.broadcast %broadcast_in_dim3A : f32 to vector<16x512xf32>
    %slice3A = vector.extract_strided_slice %add3A_11 {offsets = [0, 0], sizes = [256, 1536], strides = [1, 1]} : vector<512x1536xf32> to vector<256x1536xf32>
    %broadcast_in_dim3A_24 = arith.constant 0.000000e+00 : f32
    %broadcast_in_dim3A_25 = vector.broadcast %broadcast_in_dim3A_24 : f32 to vector<256x512xf32>
    %broadcast_in_dim3A_26 = vector.shape_cast %reshape3A_3 : vector<1x1536xf32> to vector<1x1536xf32>
    %broadcast_in_dim3A_27 = vector.broadcast %broadcast_in_dim3A_26 : vector<1x1536xf32> to vector<256x1536xf32>
    %slice3A_28 = vector.extract_strided_slice %slice3A {offsets = [0, 0], sizes = [256, 512], strides = [1, 1]} : vector<256x1536xf32> to vector<256x512xf32>
    %slice3A_29 = vector.extract_strided_slice %slice3A {offsets = [0, 512], sizes = [256, 512], strides = [1, 1]} : vector<256x1536xf32> to vector<256x512xf32>
    %slice3A_30 = vector.extract_strided_slice %slice3A {offsets = [0, 1024], sizes = [256, 512], strides = [1, 1]} : vector<256x1536xf32> to vector<256x512xf32>
    %slice3A_31 = vector.extract_strided_slice %broadcast_in_dim3A_27 {offsets = [0, 0], sizes = [256, 512], strides = [1, 1]} : vector<256x1536xf32> to vector<256x512xf32>
    %slice3A_32 = vector.extract_strided_slice %broadcast_in_dim3A_27 {offsets = [0, 512], sizes = [256, 512], strides = [1, 1]} : vector<256x1536xf32> to vector<256x512xf32>
    %slice3A_33 = vector.extract_strided_slice %broadcast_in_dim3A_27 {offsets = [0, 1024], sizes = [256, 512], strides = [1, 1]} : vector<256x1536xf32> to vector<256x512xf32>
    %add3A_34 = arith.addf %slice3A_28, %slice3A_31 : vector<256x512xf32>
    %logistic3A = arith.negf %add3A_34 : vector<256x512xf32>
    %logistic3A_35 = math.exp %logistic3A : vector<256x512xf32>
    %logistic3A_36 = arith.constant 1.000000e+00 : f32
    %logistic3A_37 = vector.broadcast %logistic3A_36 : f32 to vector<256x512xf32>
    %logistic3A_38 = arith.addf %logistic3A_37, %logistic3A_35 : vector<256x512xf32>
    %logistic3A_39 = arith.divf %logistic3A_37, %logistic3A_38 : vector<256x512xf32>
    %add3A_40 = arith.addf %slice3A_29, %slice3A_32 : vector<256x512xf32>
    %logistic3A_41 = arith.negf %add3A_40 : vector<256x512xf32>
    %logistic3A_42 = math.exp %logistic3A_41 : vector<256x512xf32>
    %logistic3A_43 = arith.constant 1.000000e+00 : f32
    %logistic3A_44 = vector.broadcast %logistic3A_43 : f32 to vector<256x512xf32>
    %logistic3A_45 = arith.addf %logistic3A_44, %logistic3A_42 : vector<256x512xf32>
    %logistic3A_46 = arith.divf %logistic3A_44, %logistic3A_45 : vector<256x512xf32>
    %mul3A = arith.mulf %logistic3A_39, %slice3A_33 : vector<256x512xf32>
    %add3A_47 = arith.addf %slice3A_30, %mul3A : vector<256x512xf32>
    %tanh3A_48 = math.tanh %add3A_47 : vector<256x512xf32>
    %sub3A = arith.constant 1.000000e+00 : f32
    %sub3A_49 = vector.broadcast %sub3A : f32 to vector<256x512xf32>
    %sub3A_50 = arith.subf %sub3A_49, %logistic3A_46 : vector<256x512xf32>
    %mul3A_51 = arith.mulf %sub3A_50, %tanh3A_48 : vector<256x512xf32>
    %mul3A_52 = arith.mulf %logistic3A_46, %broadcast_in_dim3A_25 : vector<256x512xf32>
    %add3A_53 = arith.addf %mul3A_51, %mul3A_52 : vector<256x512xf32>
    %slice3A_54 = vector.extract_strided_slice %add3A_53 {offsets = [0, 0], sizes = [16, 512], strides = [1, 1]} : vector<256x512xf32> to vector<16x512xf32>
    %max3A = arith.maximumf %broadcast_in_dim3A_23, %slice3A_54 : vector<16x512xf32>
    %slice3A_55 = vector.extract_strided_slice %add3A_53 {offsets = [16, 0], sizes = [16, 512], strides = [1, 1]} : vector<256x512xf32> to vector<16x512xf32>
    %max3A_56 = arith.maximumf %max3A, %slice3A_55 : vector<16x512xf32>
    %slice3A_57 = vector.extract_strided_slice %add3A_53 {offsets = [32, 0], sizes = [16, 512], strides = [1, 1]} : vector<256x512xf32> to vector<16x512xf32>
    %max3A_58 = arith.maximumf %max3A_56, %slice3A_57 : vector<16x512xf32>
    %slice3A_59 = vector.extract_strided_slice %add3A_53 {offsets = [48, 0], sizes = [16, 512], strides = [1, 1]} : vector<256x512xf32> to vector<16x512xf32>
    %max3A_60 = arith.maximumf %max3A_58, %slice3A_59 : vector<16x512xf32>
    %slice3A_61 = vector.extract_strided_slice %add3A_53 {offsets = [64, 0], sizes = [16, 512], strides = [1, 1]} : vector<256x512xf32> to vector<16x512xf32>
    %max3A_62 = arith.maximumf %max3A_60, %slice3A_61 : vector<16x512xf32>
    %slice3A_63 = vector.extract_strided_slice %add3A_53 {offsets = [80, 0], sizes = [16, 512], strides = [1, 1]} : vector<256x512xf32> to vector<16x512xf32>
    %max3A_64 = arith.maximumf %max3A_62, %slice3A_63 : vector<16x512xf32>
    %slice3A_65 = vector.extract_strided_slice %add3A_53 {offsets = [96, 0], sizes = [16, 512], strides = [1, 1]} : vector<256x512xf32> to vector<16x512xf32>
    %max3A_66 = arith.maximumf %max3A_64, %slice3A_65 : vector<16x512xf32>
    %slice3A_67 = vector.extract_strided_slice %add3A_53 {offsets = [112, 0], sizes = [16, 512], strides = [1, 1]} : vector<256x512xf32> to vector<16x512xf32>
    %max3A_68 = arith.maximumf %max3A_66, %slice3A_67 : vector<16x512xf32>
    %slice3A_69 = vector.extract_strided_slice %add3A_53 {offsets = [128, 0], sizes = [16, 512], strides = [1, 1]} : vector<256x512xf32> to vector<16x512xf32>
    %max3A_70 = arith.maximumf %max3A_68, %slice3A_69 : vector<16x512xf32>
    %slice3A_71 = vector.extract_strided_slice %add3A_53 {offsets = [144, 0], sizes = [16, 512], strides = [1, 1]} : vector<256x512xf32> to vector<16x512xf32>
    %max3A_72 = arith.maximumf %max3A_70, %slice3A_71 : vector<16x512xf32>
    %slice3A_73 = vector.extract_strided_slice %add3A_53 {offsets = [160, 0], sizes = [16, 512], strides = [1, 1]} : vector<256x512xf32> to vector<16x512xf32>
    %max3A_74 = arith.maximumf %max3A_72, %slice3A_73 : vector<16x512xf32>
    %slice3A_75 = vector.extract_strided_slice %add3A_53 {offsets = [176, 0], sizes = [16, 512], strides = [1, 1]} : vector<256x512xf32> to vector<16x512xf32>
    %max3A_76 = arith.maximumf %max3A_74, %slice3A_75 : vector<16x512xf32>
    %slice3A_77 = vector.extract_strided_slice %add3A_53 {offsets = [192, 0], sizes = [16, 512], strides = [1, 1]} : vector<256x512xf32> to vector<16x512xf32>
    %max3A_78 = arith.maximumf %max3A_76, %slice3A_77 : vector<16x512xf32>
    %slice3A_79 = vector.extract_strided_slice %add3A_53 {offsets = [208, 0], sizes = [16, 512], strides = [1, 1]} : vector<256x512xf32> to vector<16x512xf32>
    %max3A_80 = arith.maximumf %max3A_78, %slice3A_79 : vector<16x512xf32>
    %slice3A_81 = vector.extract_strided_slice %add3A_53 {offsets = [224, 0], sizes = [16, 512], strides = [1, 1]} : vector<256x512xf32> to vector<16x512xf32>
    %max3A_82 = arith.maximumf %max3A_80, %slice3A_81 : vector<16x512xf32>
    %slice3A_83 = vector.extract_strided_slice %add3A_53 {offsets = [240, 0], sizes = [16, 512], strides = [1, 1]} : vector<256x512xf32> to vector<16x512xf32>
    %max3A_84 = arith.maximumf %max3A_82, %slice3A_83 : vector<16x512xf32>
    %slice3A_85 = vector.extract_strided_slice %add3A_11 {offsets = [256, 0], sizes = [128, 1536], strides = [1, 1]} : vector<512x1536xf32> to vector<128x1536xf32>
    %slice3A_86 = vector.extract_strided_slice %add3A_53 {offsets = [0, 0], sizes = [128, 512], strides = [1, 1]} : vector<256x512xf32> to vector<128x512xf32>
    %dot_general3A_87 = arith.constant dense<0.000000e+00> : vector<128x512xf32>
    %dot_general3A_88 = tpu.matmul %slice3A_86, %get3A_14, %dot_general3A_87 {dimension_numbers = #tpu.dot_dimension_numbers<[1], [0], [0], [1], [0, 0, 1, 1], [], []>, transpose_lhs_hint = false} : vector<128x512xf32>, vector<512x512xf32>, vector<128x512xf32> -> vector<128x512xf32>
    %add3A_89 = vector.broadcast %get3A_17 : vector<1x512xf32> to vector<128x512xf32>
    %add3A_90 = arith.addf %dot_general3A_88, %add3A_89 : vector<128x512xf32>
    %tanh3A_91 = math.tanh %add3A_90 : vector<128x512xf32>
    %dot_general3A_92 = arith.constant dense<0.000000e+00> : vector<128x1xf32>
    %dot_general3A_93 = tpu.matmul %tanh3A_91, %get3A_20, %dot_general3A_92 {dimension_numbers = #tpu.dot_dimension_numbers<[1], [0], [0], [1], [0, 0, 1, 1], [], []>, transpose_lhs_hint = false} : vector<128x512xf32>, vector<512x1xf32>, vector<128x1xf32> -> vector<128x1xf32>
    %tanh3A_94 = math.tanh %dot_general3A_93 : vector<128x1xf32>
    %sub3A_95 = vector.broadcast %dot_general3A_22 : vector<1x1xf32> to vector<128x1xf32>
    %sub3A_96 = arith.subf %sub3A_95, %tanh3A_94 : vector<128x1xf32>
    %exp3A = math.exp %sub3A_96 : vector<128x1xf32>
    %mul3A_97 = arith.constant 1.000000e+00 : f32
    %mul3A_98 = vector.broadcast %mul3A_97 : f32 to vector<128x1xf32>
    %mul3A_99 = arith.mulf %mul3A_98, %exp3A : vector<128x1xf32>
    %add3A_100 = arith.constant 1.000000e+00 : f32
    %add3A_101 = vector.broadcast %add3A_100 : f32 to vector<128x1xf32>
    %add3A_102 = arith.addf %add3A_101, %mul3A_99 : vector<128x1xf32>
    %div3A = arith.constant 1.000000e+00 : f32
    %div3A_103 = vector.broadcast %div3A : f32 to vector<128x1xf32>
    %div3A_104 = arith.divf %div3A_103, %add3A_102 : vector<128x1xf32>
    %mul3A_105 = vector.broadcast %div3A_104 : vector<128x1xf32> to vector<128x512xf32>
    %mul3A_106 = arith.mulf %slice3A_86, %mul3A_105 : vector<128x512xf32>
    %get3A_107 = arith.constant 0 : index
    %get3A_108 = arith.constant 0 : index
    %get3A_109 = vector.load %arg9[%get3A_107, %get3A_108] : memref<1536x512xf32, #tpu.memory_space<vmem>>, vector<1536x512xf32>
    %dot_general3A_110 = arith.constant dense<0.000000e+00> : vector<128x1536xf32>
    %dot_general3A_111 = tpu.matmul %mul3A_106, %get3A_109, %dot_general3A_110 {dimension_numbers = #tpu.dot_dimension_numbers<[1], [1], [0], [0], [0, 0, 1, 0], [], []>, transpose_lhs_hint = false} : vector<128x512xf32>, vector<1536x512xf32>, vector<128x1536xf32> -> vector<128x1536xf32>
    %add3A_112 = vector.broadcast %reshape3A_3 : vector<1x1536xf32> to vector<128x1536xf32>
    %add3A_113 = arith.addf %dot_general3A_111, %add3A_112 : vector<128x1536xf32>
    %slice3A_114 = vector.extract_strided_slice %slice3A_85 {offsets = [0, 0], sizes = [128, 512], strides = [1, 1]} : vector<128x1536xf32> to vector<128x512xf32>
    %slice3A_115 = vector.extract_strided_slice %slice3A_85 {offsets = [0, 512], sizes = [128, 512], strides = [1, 1]} : vector<128x1536xf32> to vector<128x512xf32>
    %slice3A_116 = vector.extract_strided_slice %slice3A_85 {offsets = [0, 1024], sizes = [128, 512], strides = [1, 1]} : vector<128x1536xf32> to vector<128x512xf32>
    %slice3A_117 = vector.extract_strided_slice %add3A_113 {offsets = [0, 0], sizes = [128, 512], strides = [1, 1]} : vector<128x1536xf32> to vector<128x512xf32>
    %slice3A_118 = vector.extract_strided_slice %add3A_113 {offsets = [0, 512], sizes = [128, 512], strides = [1, 1]} : vector<128x1536xf32> to vector<128x512xf32>
    %slice3A_119 = vector.extract_strided_slice %add3A_113 {offsets = [0, 1024], sizes = [128, 512], strides = [1, 1]} : vector<128x1536xf32> to vector<128x512xf32>
    %add3A_120 = arith.addf %slice3A_114, %slice3A_117 : vector<128x512xf32>
    %logistic3A_121 = arith.negf %add3A_120 : vector<128x512xf32>
    %logistic3A_122 = math.exp %logistic3A_121 : vector<128x512xf32>
    %logistic3A_123 = arith.constant 1.000000e+00 : f32
    %logistic3A_124 = vector.broadcast %logistic3A_123 : f32 to vector<128x512xf32>
    %logistic3A_125 = arith.addf %logistic3A_124, %logistic3A_122 : vector<128x512xf32>
    %logistic3A_126 = arith.divf %logistic3A_124, %logistic3A_125 : vector<128x512xf32>
    %add3A_127 = arith.addf %slice3A_115, %slice3A_118 : vector<128x512xf32>
    %logistic3A_128 = arith.negf %add3A_127 : vector<128x512xf32>
    %logistic3A_129 = math.exp %logistic3A_128 : vector<128x512xf32>
    %logistic3A_130 = arith.constant 1.000000e+00 : f32
    %logistic3A_131 = vector.broadcast %logistic3A_130 : f32 to vector<128x512xf32>
    %logistic3A_132 = arith.addf %logistic3A_131, %logistic3A_129 : vector<128x512xf32>
    %logistic3A_133 = arith.divf %logistic3A_131, %logistic3A_132 : vector<128x512xf32>
    %mul3A_134 = arith.mulf %logistic3A_126, %slice3A_119 : vector<128x512xf32>
    %add3A_135 = arith.addf %slice3A_116, %mul3A_134 : vector<128x512xf32>
    %tanh3A_136 = math.tanh %add3A_135 : vector<128x512xf32>
    %sub3A_137 = arith.constant 1.000000e+00 : f32
    %sub3A_138 = vector.broadcast %sub3A_137 : f32 to vector<128x512xf32>
    %sub3A_139 = arith.subf %sub3A_138, %logistic3A_133 : vector<128x512xf32>
    %mul3A_140 = arith.mulf %sub3A_139, %tanh3A_136 : vector<128x512xf32>
    %mul3A_141 = arith.mulf %logistic3A_133, %mul3A_106 : vector<128x512xf32>
    %add3A_142 = arith.addf %mul3A_140, %mul3A_141 : vector<128x512xf32>
    %slice3A_143 = vector.extract_strided_slice %add3A_142 {offsets = [0, 0], sizes = [16, 512], strides = [1, 1]} : vector<128x512xf32> to vector<16x512xf32>
    %max3A_144 = arith.maximumf %max3A_84, %slice3A_143 : vector<16x512xf32>
    %slice3A_145 = vector.extract_strided_slice %add3A_142 {offsets = [16, 0], sizes = [16, 512], strides = [1, 1]} : vector<128x512xf32> to vector<16x512xf32>
    %max3A_146 = arith.maximumf %max3A_144, %slice3A_145 : vector<16x512xf32>
    %slice3A_147 = vector.extract_strided_slice %add3A_142 {offsets = [32, 0], sizes = [16, 512], strides = [1, 1]} : vector<128x512xf32> to vector<16x512xf32>
    %max3A_148 = arith.maximumf %max3A_146, %slice3A_147 : vector<16x512xf32>
    %slice3A_149 = vector.extract_strided_slice %add3A_142 {offsets = [48, 0], sizes = [16, 512], strides = [1, 1]} : vector<128x512xf32> to vector<16x512xf32>
    %max3A_150 = arith.maximumf %max3A_148, %slice3A_149 : vector<16x512xf32>
    %slice3A_151 = vector.extract_strided_slice %add3A_142 {offsets = [64, 0], sizes = [16, 512], strides = [1, 1]} : vector<128x512xf32> to vector<16x512xf32>
    %max3A_152 = arith.maximumf %max3A_150, %slice3A_151 : vector<16x512xf32>
    %slice3A_153 = vector.extract_strided_slice %add3A_142 {offsets = [80, 0], sizes = [16, 512], strides = [1, 1]} : vector<128x512xf32> to vector<16x512xf32>
    %max3A_154 = arith.maximumf %max3A_152, %slice3A_153 : vector<16x512xf32>
    %slice3A_155 = vector.extract_strided_slice %add3A_142 {offsets = [96, 0], sizes = [16, 512], strides = [1, 1]} : vector<128x512xf32> to vector<16x512xf32>
    %max3A_156 = arith.maximumf %max3A_154, %slice3A_155 : vector<16x512xf32>
    %slice3A_157 = vector.extract_strided_slice %add3A_142 {offsets = [112, 0], sizes = [16, 512], strides = [1, 1]} : vector<128x512xf32> to vector<16x512xf32>
    %max3A_158 = arith.maximumf %max3A_156, %slice3A_157 : vector<16x512xf32>
    %slice3A_159 = vector.extract_strided_slice %add3A_11 {offsets = [384, 0], sizes = [64, 1536], strides = [1, 1]} : vector<512x1536xf32> to vector<64x1536xf32>
    %slice3A_160 = vector.extract_strided_slice %add3A_142 {offsets = [0, 0], sizes = [64, 512], strides = [1, 1]} : vector<128x512xf32> to vector<64x512xf32>
    %dot_general3A_161 = arith.constant dense<0.000000e+00> : vector<64x512xf32>
    %dot_general3A_162 = tpu.matmul %slice3A_160, %get3A_14, %dot_general3A_161 {dimension_numbers = #tpu.dot_dimension_numbers<[1], [0], [0], [1], [0, 0, 1, 1], [], []>, transpose_lhs_hint = false} : vector<64x512xf32>, vector<512x512xf32>, vector<64x512xf32> -> vector<64x512xf32>
    %add3A_163 = vector.broadcast %get3A_17 : vector<1x512xf32> to vector<64x512xf32>
    %add3A_164 = arith.addf %dot_general3A_162, %add3A_163 : vector<64x512xf32>
    %tanh3A_165 = math.tanh %add3A_164 : vector<64x512xf32>
    %dot_general3A_166 = arith.constant dense<0.000000e+00> : vector<64x1xf32>
    %dot_general3A_167 = tpu.matmul %tanh3A_165, %get3A_20, %dot_general3A_166 {dimension_numbers = #tpu.dot_dimension_numbers<[1], [0], [0], [1], [0, 0, 1, 1], [], []>, transpose_lhs_hint = false} : vector<64x512xf32>, vector<512x1xf32>, vector<64x1xf32> -> vector<64x1xf32>
    %tanh3A_168 = math.tanh %dot_general3A_167 : vector<64x1xf32>
    %sub3A_169 = vector.broadcast %dot_general3A_22 : vector<1x1xf32> to vector<64x1xf32>
    %sub3A_170 = arith.subf %sub3A_169, %tanh3A_168 : vector<64x1xf32>
    %exp3A_171 = math.exp %sub3A_170 : vector<64x1xf32>
    %mul3A_172 = arith.constant 1.000000e+00 : f32
    %mul3A_173 = vector.broadcast %mul3A_172 : f32 to vector<64x1xf32>
    %mul3A_174 = arith.mulf %mul3A_173, %exp3A_171 : vector<64x1xf32>
    %add3A_175 = arith.constant 1.000000e+00 : f32
    %add3A_176 = vector.broadcast %add3A_175 : f32 to vector<64x1xf32>
    %add3A_177 = arith.addf %add3A_176, %mul3A_174 : vector<64x1xf32>
    %div3A_178 = arith.constant 1.000000e+00 : f32
    %div3A_179 = vector.broadcast %div3A_178 : f32 to vector<64x1xf32>
    %div3A_180 = arith.divf %div3A_179, %add3A_177 : vector<64x1xf32>
    %mul3A_181 = vector.broadcast %div3A_180 : vector<64x1xf32> to vector<64x512xf32>
    %mul3A_182 = arith.mulf %slice3A_160, %mul3A_181 : vector<64x512xf32>
    %get3A_183 = arith.constant 0 : index
    %get3A_184 = arith.constant 0 : index
    %get3A_185 = vector.load %arg9[%get3A_183, %get3A_184] : memref<1536x512xf32, #tpu.memory_space<vmem>>, vector<1536x512xf32>
    %dot_general3A_186 = arith.constant dense<0.000000e+00> : vector<64x1536xf32>
    %dot_general3A_187 = tpu.matmul %mul3A_182, %get3A_185, %dot_general3A_186 {dimension_numbers = #tpu.dot_dimension_numbers<[1], [1], [0], [0], [0, 0, 1, 0], [], []>, transpose_lhs_hint = false} : vector<64x512xf32>, vector<1536x512xf32>, vector<64x1536xf32> -> vector<64x1536xf32>
    %add3A_188 = vector.broadcast %reshape3A_3 : vector<1x1536xf32> to vector<64x1536xf32>
    %add3A_189 = arith.addf %dot_general3A_187, %add3A_188 : vector<64x1536xf32>
    %slice3A_190 = vector.extract_strided_slice %slice3A_159 {offsets = [0, 0], sizes = [64, 512], strides = [1, 1]} : vector<64x1536xf32> to vector<64x512xf32>
    %slice3A_191 = vector.extract_strided_slice %slice3A_159 {offsets = [0, 512], sizes = [64, 512], strides = [1, 1]} : vector<64x1536xf32> to vector<64x512xf32>
    %slice3A_192 = vector.extract_strided_slice %slice3A_159 {offsets = [0, 1024], sizes = [64, 512], strides = [1, 1]} : vector<64x1536xf32> to vector<64x512xf32>
    %slice3A_193 = vector.extract_strided_slice %add3A_189 {offsets = [0, 0], sizes = [64, 512], strides = [1, 1]} : vector<64x1536xf32> to vector<64x512xf32>
    %slice3A_194 = vector.extract_strided_slice %add3A_189 {offsets = [0, 512], sizes = [64, 512], strides = [1, 1]} : vector<64x1536xf32> to vector<64x512xf32>
    %slice3A_195 = vector.extract_strided_slice %add3A_189 {offsets = [0, 1024], sizes = [64, 512], strides = [1, 1]} : vector<64x1536xf32> to vector<64x512xf32>
    %add3A_196 = arith.addf %slice3A_190, %slice3A_193 : vector<64x512xf32>
    %logistic3A_197 = arith.negf %add3A_196 : vector<64x512xf32>
    %logistic3A_198 = math.exp %logistic3A_197 : vector<64x512xf32>
    %logistic3A_199 = arith.constant 1.000000e+00 : f32
    %logistic3A_200 = vector.broadcast %logistic3A_199 : f32 to vector<64x512xf32>
    %logistic3A_201 = arith.addf %logistic3A_200, %logistic3A_198 : vector<64x512xf32>
    %logistic3A_202 = arith.divf %logistic3A_200, %logistic3A_201 : vector<64x512xf32>
    %add3A_203 = arith.addf %slice3A_191, %slice3A_194 : vector<64x512xf32>
    %logistic3A_204 = arith.negf %add3A_203 : vector<64x512xf32>
    %logistic3A_205 = math.exp %logistic3A_204 : vector<64x512xf32>
    %logistic3A_206 = arith.constant 1.000000e+00 : f32
    %logistic3A_207 = vector.broadcast %logistic3A_206 : f32 to vector<64x512xf32>
    %logistic3A_208 = arith.addf %logistic3A_207, %logistic3A_205 : vector<64x512xf32>
    %logistic3A_209 = arith.divf %logistic3A_207, %logistic3A_208 : vector<64x512xf32>
    %mul3A_210 = arith.mulf %logistic3A_202, %slice3A_195 : vector<64x512xf32>
    %add3A_211 = arith.addf %slice3A_192, %mul3A_210 : vector<64x512xf32>
    %tanh3A_212 = math.tanh %add3A_211 : vector<64x512xf32>
    %sub3A_213 = arith.constant 1.000000e+00 : f32
    %sub3A_214 = vector.broadcast %sub3A_213 : f32 to vector<64x512xf32>
    %sub3A_215 = arith.subf %sub3A_214, %logistic3A_209 : vector<64x512xf32>
    %mul3A_216 = arith.mulf %sub3A_215, %tanh3A_212 : vector<64x512xf32>
    %mul3A_217 = arith.mulf %logistic3A_209, %mul3A_182 : vector<64x512xf32>
    %add3A_218 = arith.addf %mul3A_216, %mul3A_217 : vector<64x512xf32>
    %slice3A_219 = vector.extract_strided_slice %add3A_218 {offsets = [0, 0], sizes = [16, 512], strides = [1, 1]} : vector<64x512xf32> to vector<16x512xf32>
    %max3A_220 = arith.maximumf %max3A_158, %slice3A_219 : vector<16x512xf32>
    %slice3A_221 = vector.extract_strided_slice %add3A_218 {offsets = [16, 0], sizes = [16, 512], strides = [1, 1]} : vector<64x512xf32> to vector<16x512xf32>
    %max3A_222 = arith.maximumf %max3A_220, %slice3A_221 : vector<16x512xf32>
    %slice3A_223 = vector.extract_strided_slice %add3A_218 {offsets = [32, 0], sizes = [16, 512], strides = [1, 1]} : vector<64x512xf32> to vector<16x512xf32>
    %max3A_224 = arith.maximumf %max3A_222, %slice3A_223 : vector<16x512xf32>
    %slice3A_225 = vector.extract_strided_slice %add3A_218 {offsets = [48, 0], sizes = [16, 512], strides = [1, 1]} : vector<64x512xf32> to vector<16x512xf32>
    %max3A_226 = arith.maximumf %max3A_224, %slice3A_225 : vector<16x512xf32>
    %slice3A_227 = vector.extract_strided_slice %add3A_11 {offsets = [448, 0], sizes = [32, 1536], strides = [1, 1]} : vector<512x1536xf32> to vector<32x1536xf32>
    %slice3A_228 = vector.extract_strided_slice %add3A_218 {offsets = [0, 0], sizes = [32, 512], strides = [1, 1]} : vector<64x512xf32> to vector<32x512xf32>
    %dot_general3A_229 = arith.constant dense<0.000000e+00> : vector<32x512xf32>
    %dot_general3A_230 = tpu.matmul %slice3A_228, %get3A_14, %dot_general3A_229 {dimension_numbers = #tpu.dot_dimension_numbers<[1], [0], [0], [1], [0, 0, 1, 1], [], []>, transpose_lhs_hint = false} : vector<32x512xf32>, vector<512x512xf32>, vector<32x512xf32> -> vector<32x512xf32>
    %add3A_231 = vector.broadcast %get3A_17 : vector<1x512xf32> to vector<32x512xf32>
    %add3A_232 = arith.addf %dot_general3A_230, %add3A_231 : vector<32x512xf32>
    %tanh3A_233 = math.tanh %add3A_232 : vector<32x512xf32>
    %dot_general3A_234 = arith.constant dense<0.000000e+00> : vector<32x1xf32>
    %dot_general3A_235 = tpu.matmul %tanh3A_233, %get3A_20, %dot_general3A_234 {dimension_numbers = #tpu.dot_dimension_numbers<[1], [0], [0], [1], [0, 0, 1, 1], [], []>, transpose_lhs_hint = false} : vector<32x512xf32>, vector<512x1xf32>, vector<32x1xf32> -> vector<32x1xf32>
    %tanh3A_236 = math.tanh %dot_general3A_235 : vector<32x1xf32>
    %sub3A_237 = vector.broadcast %dot_general3A_22 : vector<1x1xf32> to vector<32x1xf32>
    %sub3A_238 = arith.subf %sub3A_237, %tanh3A_236 : vector<32x1xf32>
    %exp3A_239 = math.exp %sub3A_238 : vector<32x1xf32>
    %mul3A_240 = arith.constant 1.000000e+00 : f32
    %mul3A_241 = vector.broadcast %mul3A_240 : f32 to vector<32x1xf32>
    %mul3A_242 = arith.mulf %mul3A_241, %exp3A_239 : vector<32x1xf32>
    %add3A_243 = arith.constant 1.000000e+00 : f32
    %add3A_244 = vector.broadcast %add3A_243 : f32 to vector<32x1xf32>
    %add3A_245 = arith.addf %add3A_244, %mul3A_242 : vector<32x1xf32>
    %div3A_246 = arith.constant 1.000000e+00 : f32
    %div3A_247 = vector.broadcast %div3A_246 : f32 to vector<32x1xf32>
    %div3A_248 = arith.divf %div3A_247, %add3A_245 : vector<32x1xf32>
    %mul3A_249 = vector.broadcast %div3A_248 : vector<32x1xf32> to vector<32x512xf32>
    %mul3A_250 = arith.mulf %slice3A_228, %mul3A_249 : vector<32x512xf32>
    %get3A_251 = arith.constant 0 : index
    %get3A_252 = arith.constant 0 : index
    %get3A_253 = vector.load %arg9[%get3A_251, %get3A_252] : memref<1536x512xf32, #tpu.memory_space<vmem>>, vector<1536x512xf32>
    %dot_general3A_254 = arith.constant dense<0.000000e+00> : vector<32x1536xf32>
    %dot_general3A_255 = tpu.matmul %mul3A_250, %get3A_253, %dot_general3A_254 {dimension_numbers = #tpu.dot_dimension_numbers<[1], [1], [0], [0], [0, 0, 1, 0], [], []>, transpose_lhs_hint = false} : vector<32x512xf32>, vector<1536x512xf32>, vector<32x1536xf32> -> vector<32x1536xf32>
    %add3A_256 = vector.broadcast %reshape3A_3 : vector<1x1536xf32> to vector<32x1536xf32>
    %add3A_257 = arith.addf %dot_general3A_255, %add3A_256 : vector<32x1536xf32>
    %slice3A_258 = vector.extract_strided_slice %slice3A_227 {offsets = [0, 0], sizes = [32, 512], strides = [1, 1]} : vector<32x1536xf32> to vector<32x512xf32>
    %slice3A_259 = vector.extract_strided_slice %slice3A_227 {offsets = [0, 512], sizes = [32, 512], strides = [1, 1]} : vector<32x1536xf32> to vector<32x512xf32>
    %slice3A_260 = vector.extract_strided_slice %slice3A_227 {offsets = [0, 1024], sizes = [32, 512], strides = [1, 1]} : vector<32x1536xf32> to vector<32x512xf32>
    %slice3A_261 = vector.extract_strided_slice %add3A_257 {offsets = [0, 0], sizes = [32, 512], strides = [1, 1]} : vector<32x1536xf32> to vector<32x512xf32>
    %slice3A_262 = vector.extract_strided_slice %add3A_257 {offsets = [0, 512], sizes = [32, 512], strides = [1, 1]} : vector<32x1536xf32> to vector<32x512xf32>
    %slice3A_263 = vector.extract_strided_slice %add3A_257 {offsets = [0, 1024], sizes = [32, 512], strides = [1, 1]} : vector<32x1536xf32> to vector<32x512xf32>
    %add3A_264 = arith.addf %slice3A_258, %slice3A_261 : vector<32x512xf32>
    %logistic3A_265 = arith.negf %add3A_264 : vector<32x512xf32>
    %logistic3A_266 = math.exp %logistic3A_265 : vector<32x512xf32>
    %logistic3A_267 = arith.constant 1.000000e+00 : f32
    %logistic3A_268 = vector.broadcast %logistic3A_267 : f32 to vector<32x512xf32>
    %logistic3A_269 = arith.addf %logistic3A_268, %logistic3A_266 : vector<32x512xf32>
    %logistic3A_270 = arith.divf %logistic3A_268, %logistic3A_269 : vector<32x512xf32>
    %add3A_271 = arith.addf %slice3A_259, %slice3A_262 : vector<32x512xf32>
    %logistic3A_272 = arith.negf %add3A_271 : vector<32x512xf32>
    %logistic3A_273 = math.exp %logistic3A_272 : vector<32x512xf32>
    %logistic3A_274 = arith.constant 1.000000e+00 : f32
    %logistic3A_275 = vector.broadcast %logistic3A_274 : f32 to vector<32x512xf32>
    %logistic3A_276 = arith.addf %logistic3A_275, %logistic3A_273 : vector<32x512xf32>
    %logistic3A_277 = arith.divf %logistic3A_275, %logistic3A_276 : vector<32x512xf32>
    %mul3A_278 = arith.mulf %logistic3A_270, %slice3A_263 : vector<32x512xf32>
    %add3A_279 = arith.addf %slice3A_260, %mul3A_278 : vector<32x512xf32>
    %tanh3A_280 = math.tanh %add3A_279 : vector<32x512xf32>
    %sub3A_281 = arith.constant 1.000000e+00 : f32
    %sub3A_282 = vector.broadcast %sub3A_281 : f32 to vector<32x512xf32>
    %sub3A_283 = arith.subf %sub3A_282, %logistic3A_277 : vector<32x512xf32>
    %mul3A_284 = arith.mulf %sub3A_283, %tanh3A_280 : vector<32x512xf32>
    %mul3A_285 = arith.mulf %logistic3A_277, %mul3A_250 : vector<32x512xf32>
    %add3A_286 = arith.addf %mul3A_284, %mul3A_285 : vector<32x512xf32>
    %slice3A_287 = vector.extract_strided_slice %add3A_286 {offsets = [0, 0], sizes = [16, 512], strides = [1, 1]} : vector<32x512xf32> to vector<16x512xf32>
    %max3A_288 = arith.maximumf %max3A_226, %slice3A_287 : vector<16x512xf32>
    %slice3A_289 = vector.extract_strided_slice %add3A_286 {offsets = [16, 0], sizes = [16, 512], strides = [1, 1]} : vector<32x512xf32> to vector<16x512xf32>
    %max3A_290 = arith.maximumf %max3A_288, %slice3A_289 : vector<16x512xf32>
    %slice3A_291 = vector.extract_strided_slice %add3A_11 {offsets = [480, 0], sizes = [16, 1536], strides = [1, 1]} : vector<512x1536xf32> to vector<16x1536xf32>
    %slice3A_292 = vector.extract_strided_slice %add3A_286 {offsets = [0, 0], sizes = [16, 512], strides = [1, 1]} : vector<32x512xf32> to vector<16x512xf32>
    %dot_general3A_293 = arith.constant dense<0.000000e+00> : vector<16x512xf32>
    %dot_general3A_294 = tpu.matmul %slice3A_292, %get3A_14, %dot_general3A_293 {dimension_numbers = #tpu.dot_dimension_numbers<[1], [0], [0], [1], [0, 0, 1, 1], [], []>, transpose_lhs_hint = false} : vector<16x512xf32>, vector<512x512xf32>, vector<16x512xf32> -> vector<16x512xf32>
    %add3A_295 = vector.broadcast %get3A_17 : vector<1x512xf32> to vector<16x512xf32>
    %add3A_296 = arith.addf %dot_general3A_294, %add3A_295 : vector<16x512xf32>
    %tanh3A_297 = math.tanh %add3A_296 : vector<16x512xf32>
    %dot_general3A_298 = arith.constant dense<0.000000e+00> : vector<16x1xf32>
    %dot_general3A_299 = tpu.matmul %tanh3A_297, %get3A_20, %dot_general3A_298 {dimension_numbers = #tpu.dot_dimension_numbers<[1], [0], [0], [1], [0, 0, 1, 1], [], []>, transpose_lhs_hint = false} : vector<16x512xf32>, vector<512x1xf32>, vector<16x1xf32> -> vector<16x1xf32>
    %tanh3A_300 = math.tanh %dot_general3A_299 : vector<16x1xf32>
    %sub3A_301 = vector.broadcast %dot_general3A_22 : vector<1x1xf32> to vector<16x1xf32>
    %sub3A_302 = arith.subf %sub3A_301, %tanh3A_300 : vector<16x1xf32>
    %exp3A_303 = math.exp %sub3A_302 : vector<16x1xf32>
    %mul3A_304 = arith.constant 1.000000e+00 : f32
    %mul3A_305 = vector.broadcast %mul3A_304 : f32 to vector<16x1xf32>
    %mul3A_306 = arith.mulf %mul3A_305, %exp3A_303 : vector<16x1xf32>
    %add3A_307 = arith.constant 1.000000e+00 : f32
    %add3A_308 = vector.broadcast %add3A_307 : f32 to vector<16x1xf32>
    %add3A_309 = arith.addf %add3A_308, %mul3A_306 : vector<16x1xf32>
    %div3A_310 = arith.constant 1.000000e+00 : f32
    %div3A_311 = vector.broadcast %div3A_310 : f32 to vector<16x1xf32>
    %div3A_312 = arith.divf %div3A_311, %add3A_309 : vector<16x1xf32>
    %mul3A_313 = vector.broadcast %div3A_312 : vector<16x1xf32> to vector<16x512xf32>
    %mul3A_314 = arith.mulf %slice3A_292, %mul3A_313 : vector<16x512xf32>
    %get3A_315 = arith.constant 0 : index
    %get3A_316 = arith.constant 0 : index
    %get3A_317 = vector.load %arg9[%get3A_315, %get3A_316] : memref<1536x512xf32, #tpu.memory_space<vmem>>, vector<1536x512xf32>
    %dot_general3A_318 = arith.constant dense<0.000000e+00> : vector<16x1536xf32>
    %dot_general3A_319 = tpu.matmul %mul3A_314, %get3A_317, %dot_general3A_318 {dimension_numbers = #tpu.dot_dimension_numbers<[1], [1], [0], [0], [0, 0, 1, 0], [], []>, transpose_lhs_hint = false} : vector<16x512xf32>, vector<1536x512xf32>, vector<16x1536xf32> -> vector<16x1536xf32>
    %add3A_320 = vector.broadcast %reshape3A_3 : vector<1x1536xf32> to vector<16x1536xf32>
    %add3A_321 = arith.addf %dot_general3A_319, %add3A_320 : vector<16x1536xf32>
    %slice3A_322 = vector.extract_strided_slice %slice3A_291 {offsets = [0, 0], sizes = [16, 512], strides = [1, 1]} : vector<16x1536xf32> to vector<16x512xf32>
    %slice3A_323 = vector.extract_strided_slice %slice3A_291 {offsets = [0, 512], sizes = [16, 512], strides = [1, 1]} : vector<16x1536xf32> to vector<16x512xf32>
    %slice3A_324 = vector.extract_strided_slice %slice3A_291 {offsets = [0, 1024], sizes = [16, 512], strides = [1, 1]} : vector<16x1536xf32> to vector<16x512xf32>
    %slice3A_325 = vector.extract_strided_slice %add3A_321 {offsets = [0, 0], sizes = [16, 512], strides = [1, 1]} : vector<16x1536xf32> to vector<16x512xf32>
    %slice3A_326 = vector.extract_strided_slice %add3A_321 {offsets = [0, 512], sizes = [16, 512], strides = [1, 1]} : vector<16x1536xf32> to vector<16x512xf32>
    %slice3A_327 = vector.extract_strided_slice %add3A_321 {offsets = [0, 1024], sizes = [16, 512], strides = [1, 1]} : vector<16x1536xf32> to vector<16x512xf32>
    %add3A_328 = arith.addf %slice3A_322, %slice3A_325 : vector<16x512xf32>
    %logistic3A_329 = arith.negf %add3A_328 : vector<16x512xf32>
    %logistic3A_330 = math.exp %logistic3A_329 : vector<16x512xf32>
    %logistic3A_331 = arith.constant 1.000000e+00 : f32
    %logistic3A_332 = vector.broadcast %logistic3A_331 : f32 to vector<16x512xf32>
    %logistic3A_333 = arith.addf %logistic3A_332, %logistic3A_330 : vector<16x512xf32>
    %logistic3A_334 = arith.divf %logistic3A_332, %logistic3A_333 : vector<16x512xf32>
    %add3A_335 = arith.addf %slice3A_323, %slice3A_326 : vector<16x512xf32>
    %logistic3A_336 = arith.negf %add3A_335 : vector<16x512xf32>
    %logistic3A_337 = math.exp %logistic3A_336 : vector<16x512xf32>
    %logistic3A_338 = arith.constant 1.000000e+00 : f32
    %logistic3A_339 = vector.broadcast %logistic3A_338 : f32 to vector<16x512xf32>
    %logistic3A_340 = arith.addf %logistic3A_339, %logistic3A_337 : vector<16x512xf32>
    %logistic3A_341 = arith.divf %logistic3A_339, %logistic3A_340 : vector<16x512xf32>
    %mul3A_342 = arith.mulf %logistic3A_334, %slice3A_327 : vector<16x512xf32>
    %add3A_343 = arith.addf %slice3A_324, %mul3A_342 : vector<16x512xf32>
    %tanh3A_344 = math.tanh %add3A_343 : vector<16x512xf32>
    %sub3A_345 = arith.constant 1.000000e+00 : f32
    %sub3A_346 = vector.broadcast %sub3A_345 : f32 to vector<16x512xf32>
    %sub3A_347 = arith.subf %sub3A_346, %logistic3A_341 : vector<16x512xf32>
    %mul3A_348 = arith.mulf %sub3A_347, %tanh3A_344 : vector<16x512xf32>
    %mul3A_349 = arith.mulf %logistic3A_341, %mul3A_314 : vector<16x512xf32>
    %add3A_350 = arith.addf %mul3A_348, %mul3A_349 : vector<16x512xf32>
    %max3A_351 = arith.maximumf %max3A_290, %add3A_350 : vector<16x512xf32>
    %slice3A_352 = vector.extract_strided_slice %add3A_11 {offsets = [496, 0], sizes = [16, 1536], strides = [1, 1]} : vector<512x1536xf32> to vector<16x1536xf32>
    %dot_general3A_353 = arith.constant dense<0.000000e+00> : vector<16x512xf32>
    %dot_general3A_354 = tpu.matmul %add3A_350, %get3A_14, %dot_general3A_353 {dimension_numbers = #tpu.dot_dimension_numbers<[1], [0], [0], [1], [0, 0, 1, 1], [], []>, transpose_lhs_hint = false} : vector<16x512xf32>, vector<512x512xf32>, vector<16x512xf32> -> vector<16x512xf32>
    %add3A_355 = vector.broadcast %get3A_17 : vector<1x512xf32> to vector<16x512xf32>
    %add3A_356 = arith.addf %dot_general3A_354, %add3A_355 : vector<16x512xf32>
    %tanh3A_357 = math.tanh %add3A_356 : vector<16x512xf32>
    %dot_general3A_358 = arith.constant dense<0.000000e+00> : vector<16x1xf32>
    %dot_general3A_359 = tpu.matmul %tanh3A_357, %get3A_20, %dot_general3A_358 {dimension_numbers = #tpu.dot_dimension_numbers<[1], [0], [0], [1], [0, 0, 1, 1], [], []>, transpose_lhs_hint = false} : vector<16x512xf32>, vector<512x1xf32>, vector<16x1xf32> -> vector<16x1xf32>
    %tanh3A_360 = math.tanh %dot_general3A_359 : vector<16x1xf32>
    %sub3A_361 = vector.broadcast %dot_general3A_22 : vector<1x1xf32> to vector<16x1xf32>
    %sub3A_362 = arith.subf %sub3A_361, %tanh3A_360 : vector<16x1xf32>
    %exp3A_363 = math.exp %sub3A_362 : vector<16x1xf32>
    %mul3A_364 = arith.constant 1.500000e+01 : f32
    %mul3A_365 = vector.broadcast %mul3A_364 : f32 to vector<16x1xf32>
    %mul3A_366 = arith.mulf %mul3A_365, %exp3A_363 : vector<16x1xf32>
    %add3A_367 = arith.constant 1.000000e+00 : f32
    %add3A_368 = vector.broadcast %add3A_367 : f32 to vector<16x1xf32>
    %add3A_369 = arith.addf %add3A_368, %mul3A_366 : vector<16x1xf32>
    %div3A_370 = arith.constant 1.000000e+00 : f32
    %div3A_371 = vector.broadcast %div3A_370 : f32 to vector<16x1xf32>
    %div3A_372 = arith.divf %div3A_371, %add3A_369 : vector<16x1xf32>
    %mul3A_373 = vector.broadcast %div3A_372 : vector<16x1xf32> to vector<16x512xf32>
    %mul3A_374 = arith.mulf %add3A_350, %mul3A_373 : vector<16x512xf32>
    %get3A_375 = arith.constant 0 : index
    %get3A_376 = arith.constant 0 : index
    %get3A_377 = vector.load %arg9[%get3A_375, %get3A_376] : memref<1536x512xf32, #tpu.memory_space<vmem>>, vector<1536x512xf32>
    %dot_general3A_378 = arith.constant dense<0.000000e+00> : vector<16x1536xf32>
    %dot_general3A_379 = tpu.matmul %mul3A_374, %get3A_377, %dot_general3A_378 {dimension_numbers = #tpu.dot_dimension_numbers<[1], [1], [0], [0], [0, 0, 1, 0], [], []>, transpose_lhs_hint = false} : vector<16x512xf32>, vector<1536x512xf32>, vector<16x1536xf32> -> vector<16x1536xf32>
    %add3A_380 = vector.broadcast %reshape3A_3 : vector<1x1536xf32> to vector<16x1536xf32>
    %add3A_381 = arith.addf %dot_general3A_379, %add3A_380 : vector<16x1536xf32>
    %slice3A_382 = vector.extract_strided_slice %slice3A_352 {offsets = [0, 0], sizes = [16, 512], strides = [1, 1]} : vector<16x1536xf32> to vector<16x512xf32>
    %slice3A_383 = vector.extract_strided_slice %slice3A_352 {offsets = [0, 512], sizes = [16, 512], strides = [1, 1]} : vector<16x1536xf32> to vector<16x512xf32>
    %slice3A_384 = vector.extract_strided_slice %slice3A_352 {offsets = [0, 1024], sizes = [16, 512], strides = [1, 1]} : vector<16x1536xf32> to vector<16x512xf32>
    %slice3A_385 = vector.extract_strided_slice %add3A_381 {offsets = [0, 0], sizes = [16, 512], strides = [1, 1]} : vector<16x1536xf32> to vector<16x512xf32>
    %slice3A_386 = vector.extract_strided_slice %add3A_381 {offsets = [0, 512], sizes = [16, 512], strides = [1, 1]} : vector<16x1536xf32> to vector<16x512xf32>
    %slice3A_387 = vector.extract_strided_slice %add3A_381 {offsets = [0, 1024], sizes = [16, 512], strides = [1, 1]} : vector<16x1536xf32> to vector<16x512xf32>
    %add3A_388 = arith.addf %slice3A_382, %slice3A_385 : vector<16x512xf32>
    %logistic3A_389 = arith.negf %add3A_388 : vector<16x512xf32>
    %logistic3A_390 = math.exp %logistic3A_389 : vector<16x512xf32>
    %logistic3A_391 = arith.constant 1.000000e+00 : f32
    %logistic3A_392 = vector.broadcast %logistic3A_391 : f32 to vector<16x512xf32>
    %logistic3A_393 = arith.addf %logistic3A_392, %logistic3A_390 : vector<16x512xf32>
    %logistic3A_394 = arith.divf %logistic3A_392, %logistic3A_393 : vector<16x512xf32>
    %add3A_395 = arith.addf %slice3A_383, %slice3A_386 : vector<16x512xf32>
    %logistic3A_396 = arith.negf %add3A_395 : vector<16x512xf32>
    %logistic3A_397 = math.exp %logistic3A_396 : vector<16x512xf32>
    %logistic3A_398 = arith.constant 1.000000e+00 : f32
    %logistic3A_399 = vector.broadcast %logistic3A_398 : f32 to vector<16x512xf32>
    %logistic3A_400 = arith.addf %logistic3A_399, %logistic3A_397 : vector<16x512xf32>
    %logistic3A_401 = arith.divf %logistic3A_399, %logistic3A_400 : vector<16x512xf32>
    %mul3A_402 = arith.mulf %logistic3A_394, %slice3A_387 : vector<16x512xf32>
    %add3A_403 = arith.addf %slice3A_384, %mul3A_402 : vector<16x512xf32>
    %tanh3A_404 = math.tanh %add3A_403 : vector<16x512xf32>
    %sub3A_405 = arith.constant 1.000000e+00 : f32
    %sub3A_406 = vector.broadcast %sub3A_405 : f32 to vector<16x512xf32>
    %sub3A_407 = arith.subf %sub3A_406, %logistic3A_401 : vector<16x512xf32>
    %mul3A_408 = arith.mulf %sub3A_407, %tanh3A_404 : vector<16x512xf32>
    %mul3A_409 = arith.mulf %logistic3A_401, %mul3A_374 : vector<16x512xf32>
    %add3A_410 = arith.addf %mul3A_408, %mul3A_409 : vector<16x512xf32>
    %max3A_411 = arith.maximumf %max3A_351, %add3A_410 : vector<16x512xf32>
    %max3A_412 = arith.constant 0.000000e+00 : f32
    %max3A_413 = vector.broadcast %max3A_412 : f32 to vector<16x512xf32>
    %max3A_414 = arith.maximumf %max3A_411, %max3A_413 : vector<16x512xf32>
    %swap3A = arith.constant 0 : index
    %swap3A_415 = arith.constant 0 : index
    %swap3A_416 = vector.load %arg8[%swap3A, %swap3A_415] : memref<16x512xf32, #tpu.memory_space<vmem>>, vector<16x512xf32>
    tpu.vector_store %arg8[%swap3A, %swap3A_415], %max3A_414 {strides = array<i32>} : memref<16x512xf32, #tpu.memory_space<vmem>>, vector<16x512xf32>,
    return
  }
}

</mosaic_0001>

<sc_bundles>
// kernel: _run.4.cloned.1.call-start
scs
__scs_entry_jumppad:
0x0: {  	(pc) =	sbr.rel $0x88, $3  }
0x1: {  	(tag) =	ssettag $0x0;
	lr =	simm.s32 $0x1  }
0x2: {  	[smem:$0x3F98] =	sst lr;
	_ =	strace $0xD0000000  }
0x3: {  	_ = 	snop  }
0x4: {  	_ = 	snop  }
0x5: {  	_ = 	snop  }
0x6: {  	_ = 	snop  }
0x7: {  	_ = 	snop  }
__scs_overlays_trampoline_lowered:
0x8: {  	[smem:$0x3FA7] =	sst s0  }
0x9: {  	[smem:$0x3FA8] =	sst s1  }
0xa: {  	[smem:$0x3FA9] =	sst s2  }
0xb: {  	[smem:$0x3FAA] =	sst s3  }
0xc: {  	[smem:$0x3FAB] =	sst s4  }
0xd: {  	[smem:$0x3FAC] =	sst s5  }
0xe: {  	[smem:$0x3FAD] =	sst s6  }
0xf: {  	[smem:$0x3FAE] =	sst s7  }
0x10: {  	[smem:$0x3FAF] =	sst s8  }
0x11: {  	[smem:$0x3FB0] =	sst s9;
	s0 =	simm.s32 @!p0 $0x0  }
0x12: {  	s1 =	sld [smem:$0x3F96];
	s0 =	simm.s32 @p0 $0x1  }
0x13: {  	[smem:$0x3FB1] =	sst s0;
	s0 =	simm.s32 @!p1 $0x0  }
0x14: {  	s2 =	sld [smem:$0x3F95];
	s0 =	simm.s32 @p1 $0x1  }
0x15: {  	[smem:$0x3FB2] =	sst s0;
	s0 =	simm.s32 @!p2 $0x0  }
0x16: {  	s3 =	sld [smem:$0x3FDB];
	s0 =	simm.s32 @p2 $0x1  }
0x17: {  	s4 =	simm.s32 $0x1BF5;
	[smem:$0x3FB4] =	sst s0  }
0x18: {  	s0 =	sld [smem:$0x3F97];
	_ =	swait.ge [sflag:s4], $0x0  }
0x19: {  	s7 =	sld [smem:$0x3F98]  }
0x1a: {  	s8 =	sadd.s32 $0xFFFFE003, lr  }
0x1b: {  	s9 =	sadd.s32 $0xFFFFFEF7, lr;
	s5 =	simm.s32 $0xFFFFFFFF;
	p2 =	slt.u32 s8, $0xFFFFF086  }
0x1c: {  	p1 =	slt.u32 s9, $0xF7A;
	s5 =	simm.s32 @!p2 $0x0  }
0x1d: {  	s5 =	simm.s32 @p1 $0x1;
	p0 =	seq.s32 s7, s2  }
0x1e: {  	s7 =	smul.u32 @!p0 $0xF7A, s2;
	p2 =	seq.s32 @!p0 s5, $0x0  }
0x1f: {  	s9 =	smul.u32 $0xF7A, s1;
	s8 =	simm.s32 @!p0 $0x1BF5;
	p2 =	por !p2, p0  }
0x20: {  	[sflag:s8] =	ssyncset.s32 @!p0 $0xFFFFF086;
	s6 =	sadd.s32 @!p0 s3, s7;
	s7 =	simm.s32 @!p0 $0x108  }
0x21: {  	s3 =	sadd.s32 s3, s9;
	s6 =	sadd.s32 @!p0 $0x88, s6;
	s7 =	simm.s32 @p2 $0x1082  }
0x22: {  	[simem:s7], [sflag:s8] =	dma.local @!p0 [hbm:s6], $0xF7A  }
0x23: {  	s9 =	sor.u32 $0xD0000000, s2;
	s6 =	simm.s32 $0x108;
	_ =	swait.ge @!p0 [sflag:s8], $0x0  }
0x24: {  	s3 =	sadd.s32 $0x88, s3;
	s6 =	simm.s32 @!p1 $0x1082;
	[sflag:s4] =	ssyncset.s32 $0xFFFFF086  }
0x25: {  	[simem:s6], [sflag:s4] =	dma.local [hbm:s3], $0xF7A  }
0x26: {  	[smem:$0x3F98] =	sst s1;
	(tag) =	ssettag s2;
	_ =	strace s9  }
0x27: {  	s1 =	sld [smem:$0x3FA8]  }
0x28: {  	s2 =	sld [smem:$0x3FA9]  }
0x29: {  	s4 =	sld [smem:$0x3FAB]  }
0x2a: {  	p0 =	seq.s32 s5, $0x0;
	s5 =	sld [smem:$0x3FAC]  }
0x2b: {  	s6 =	sld [smem:$0x3FAD]  }
0x2c: {  	s7 =	sld [smem:$0x3FAE]  }
0x2d: {  	s3 =	simm.s32 $0x108;
	s8 =	sld [smem:$0x3FAF]  }
0x2e: {  	s3 =	simm.s32 @!p0 $0x1082;
	s9 =	sld [smem:$0x3FB0]  }
0x2f: {  	lr =	sadd.s32 s0, s3;
	s0 =	sld [smem:$0x3FA7]  }
0x30: {  	s3 =	sld [smem:$0x3FAA]  }
0x31: {  	[smem:$0x3FB3] =	sst s10  }
0x32: {  	s10 =	sld [smem:$0x3FB1];
	_ =	sdelay $0x3  }
0x33: {  	p0 =	seq.s32 s10, $0x1;
	s10 =	sld [smem:$0x3FB3];
	_ =	sdelay $0x3  }
0x34: {  	[smem:$0x3FB3] =	sst s10  }
0x35: {  	s10 =	sld [smem:$0x3FB2];
	_ =	sdelay $0x3  }
0x36: {  	p1 =	seq.s32 s10, $0x1;
	s10 =	sld [smem:$0x3FB3];
	_ =	sdelay $0x3  }
0x37: {  	[smem:$0x3FB3] =	sst s10  }
0x38: {  	s10 =	sld [smem:$0x3FB4]  }
0x39: {  	_ = 	snop;
	(pc) =	sbr.ind lr, $3  }
0x3a: {  	_ = 	snop  }
0x3b: {  	_ = 	snop  }
0x3c: {  	p2 =	seq.s32 s10, $0x1;
	s10 =	sld [smem:$0x3FB3]  }
0x3d: {  	_ =	shalt  }
0x3e: {  	_ =	shalt  }
0x3f: {  	_ =	shalt  }
0x40: {  	_ =	shalt  }
0x41: {  	_ =	shalt  }
0x42: {  	_ =	shalt  }
0x43: {  	_ =	shalt  }
0x44: {  	_ =	shalt  }
0x45: {  	_ =	shalt  }
0x46: {  	_ =	shalt  }
0x47: {  	_ =	shalt  }
0x48: {  	_ =	shalt  }
0x49: {  	_ =	shalt  }
0x4a: {  	_ =	shalt  }
0x4b: {  	_ =	shalt  }
0x4c: {  	_ =	shalt  }
0x4d: {  	_ =	shalt  }
0x4e: {  	_ =	shalt  }
0x4f: {  	_ =	shalt  }
0x50: {  	_ =	shalt  }
0x51: {  	_ =	shalt  }
0x52: {  	_ =	shalt  }
0x53: {  	_ =	shalt  }
0x54: {  	_ =	shalt  }
0x55: {  	_ =	shalt  }
0x56: {  	_ =	shalt  }
0x57: {  	_ =	shalt  }
0x58: {  	_ =	shalt  }
0x59: {  	_ =	shalt  }
0x5a: {  	_ =	shalt  }
0x5b: {  	_ =	shalt  }
0x5c: {  	_ =	shalt  }
0x5d: {  	_ =	shalt  }
0x5e: {  	_ =	shalt  }
0x5f: {  	_ =	shalt  }
0x60: {  	_ =	shalt  }
0x61: {  	_ =	shalt  }
0x62: {  	_ =	shalt  }
0x63: {  	_ =	shalt  }
0x64: {  	_ =	shalt  }
0x65: {  	_ =	shalt  }
0x66: {  	_ =	shalt  }
0x67: {  	_ =	shalt  }
0x68: {  	_ =	shalt  }
0x69: {  	_ =	shalt  }
0x6a: {  	_ =	shalt  }
0x6b: {  	_ =	shalt  }
0x6c: {  	_ =	shalt  }
0x6d: {  	_ =	shalt  }
0x6e: {  	_ =	shalt  }
0x6f: {  	_ =	shalt  }
0x70: {  	_ =	shalt  }
0x71: {  	_ =	shalt  }
0x72: {  	_ =	shalt  }
0x73: {  	_ =	shalt  }
0x74: {  	_ =	shalt  }
0x75: {  	_ =	shalt  }
0x76: {  	_ =	shalt  }
0x77: {  	_ =	shalt  }
0x78: {  	_ =	shalt  }
0x79: {  	_ =	shalt  }
0x7a: {  	_ =	shalt  }
0x7b: {  	_ =	shalt  }
0x7c: {  	_ =	shalt  }
0x7d: {  	_ =	shalt  }
0x7e: {  	_ =	shalt  }
0x7f: {  	_ =	shalt  }
0x80: {  	_ =	shalt  }
0x81: {  	_ =	shalt  }
0x82: {  	_ =	shalt  }
0x83: {  	_ =	shalt  }
0x84: {  	_ =	shalt  }
0x85: {  	_ =	shalt  }
0x86: {  	_ =	shalt  }
0x87: {  	_ =	shalt  }
.Lfunc_end0:
.L_simem_size_0:
called_computation_lowered:
.L_overlay_start_0:
0x88: {  	s2 =	sld [smem:$0x3FD9]  }
0x89: {  	s3 =	sld [smem:$0x3FFE];
	_ =	sdelay $0x1  }
0x8a: {  	s1 =	srdreg.scid  }
0x8b: {  	s0 =	sand.u32 $0x1, s1  }
0x8c: {  	s17 =	sshll.u32 s0, $0xA;
	s2 =	sadd.s32 s3, s2  }
0x8d: {  	s2 =	sadd.s32 s2, s17  }
0x8e: {  	[smem:$0x3FBF] =	sst s2  }
0x8f: {  	_ = 	snop  }
0x90: {  	s2 =	sld [smem:$0x3FC8]  }
0x91: {  	s18 =	sld [smem:$0x3FD0];
	(tm) =	ssettm $0x1  }
0x92: {  	s4 =	sld [smem:$0x3FFB];
	_ =	sdelay $0x3  }
0x93: {  	_ =	strace s4  }
0x94: {  	s4 =	sld [smem:$0x3FFC];
	_ =	sdelay $0x3  }
0x95: {  	_ =	strace s4  }
0x96: {  	s4 =	sld [smem:$0x3FFD];
	_ =	sdelay $0x3  }
0x97: {  	_ =	strace s4  }
0x98: {  	_ =	strace $0x8FFFFFFF  }
0x99: {  	s19 =	sld [smem:$0x3FDB];
	_ =	sdelay $0x1  }
0x9a: {  	s5 =	simm.s32 $_scs_section_size  }
0x9b: {  	s6 =	simm.s32 $_size__tile_overlayer_lowered;
	s7 =	simm.s32 $_tile_overlayer_lowered  }
0x9c: {  	s22 =	simm.s32 $0x1BFF;
	s21 =	sshll.u32 s7, $0x1;
	s4 =	sadd.s32 s5, s19  }
0x9d: {  	s8 =	simm.s32 $0x0;
	s20 =	sshll.u32 s6, $0x1;
	s6 =	sadd.s32 s21, s4  }
0x9e: {  	[timem:s8], [sflag:s22] =	dma.local [hbm:s6], s20  }
0x9f: {  	_ =	swait.ge [sflag:s22], s20  }
0xa0: {  	s5 =	ssub.s32 $0x0, s20;
	[sflag:s22] =	ssyncset.done $0x0  }
0xa1: {  	[sflag:s22] =	ssyncadd.s32 s5;
	_ =	sdelay $0x1  }
0xa2: {  	s23 =	simm.s32 $0x1B8B  }
0xa3: {  	_ =	swait.ge [sflag:s23], $0x1  }
0xa4: {  	[sflag:s23] =	ssyncset.done $0x0  }
0xa5: {  	s25 =	simm.s32 $0x1B8E;
	s24 =	sld [smem:$0x3FFE];
	[sflag:s23] =	ssyncadd.s32 $0xFFFFFFFF  }
0xa6: {  	s26 =	simm.s32 $execute0_lowered;
	[smem:$0x3FD2] =	sst s25  }
0xa7: {  	s6 =	sshll.u32 s26, $0x1;
	_ =	strace $0x80000046;
	[dreg:$0x1] =	wrdreg $0xFFFFFFFF  }
0xa8: {  	s28 =	simm.s32 $_size_execute0_lowered;
	s4 =	sadd.s32 s4, s6;
	[dreg:$0x0] =	wrdreg $0x0  }
0xa9: {  	s6 =	sshll.u32 s28, $0x1;
	[dreg:$0x2] =	wrdreg s4  }
0xaa: {  	[dreg:$0x3] =	wrdreg s6  }
0xab: {  	[dreg:$0x4] =	wrdreg $0xC0  }
0xac: {  	_ =	task [dreg:s8], $0x5FFFF  }
0xad: {  	[dreg:$0x1] =	wrdreg $0xFFFFFFFF  }
0xae: {  	[dreg:$0x0] =	wrdreg $0x60  }
0xaf: {  	[dreg:$0x2] =	wrdreg s24  }
0xb0: {  	[dreg:$0x3] =	wrdreg s18  }
0xb1: {  	[dreg:$0x4] =	wrdreg s2  }
0xb2: {  	[dreg:$0x5] =	wrdreg $0x9  }
0xb3: {  	_ =	task.clear_ibuf [dreg:s8], $0x6FFFF;
	_ =	strace $0x90000046  }
0xb4: {  	s29 =	simm.s32 $0x9;
	_ =	strace $0x80000048  }
0xb5: {  	_ =	swait.ge [sflag:s29], $0x1  }
0xb6: {  	[sflag:s29] =	ssyncadd.s32 $0xFFFFFFFF  }
0xb7: {  	_ =	strace $0x90000048  }
0xb8: {  	_ =	sfence  }
0xb9: {  	s30 =	sld [smem:$0x0];
	_ =	sdelay $0x2  }
0xba: {  	s31 =	sshll.u32 s1, $0xD;
	s1 =	sshrl.u32 s1, $0x2  }
0xbb: {  	s3 =	sand.u32 $0x4000, s31;
	s1 =	sadd.s32 s1, s30  }
0xbc: {  	s0 =	sor.u32 s3, s0;
	s1 =	sshll.u32 s1, $0x11  }
0xbd: {  	s0 =	sor.u32 s1, s0  }
0xbe: {  	s0 =	sadd.s32 $0x8F2B, s0  }
0xbf: {  	[sflag:s0] =	ssyncadd.remote.s32 $0x1  }
0xc0: {  	_ =	sfence.sel $0xFFFF  }
0xc1: {  	[dreg:$0x0] =	wrdreg $0xFFFFFFFF;
	(pc) =	sbr.abs _section_cstart, $3  }
0xc2: {  	[dreg:$0x1] =	wrdreg $0xFFFFFFFF  }
0xc3: {  	_ =	task.clear_ibuf [dreg:s8], $0x2FFFF;
	_ =	strace $0x9FFFFFFF  }
0xc4: {  	(tm) =	ssettm $0x7FFFFFFF  }
0xc5: {  	_ =	shalt  }
tec
execute0_lowered:
.L_overlay_start_1:
0x0: {  	(tag) =	ssettag $0x1  }
0x1: {  	s1 =	srdreg.scid  }
0x2: {  	s15 =	rddreg [dreg:$0x0];
	s0 =	stileid.u32;
	s14 =	sand.u32 $0x1, s1  }
0x3: {  	s2 =	rddreg [dreg:$0x1];
	s30 =	sshll.u32 s0, $0x5;
	s4 =	sshll.u32 s14, $0x4  }
0x4: {  	s3 =	rddreg [dreg:$0x2];
	s16 =	sor.u32 s4, s30  }
0x5: {  	s1 =	rddreg [dreg:$0x3];
	s4 =	simm.s32 $0x0;
	s5 =	sshrl.u32 s16, $0x3  }
0x6: {  	[smem:$0x7FF] =	sst s4;
	s5 =	sadd.s32 s5, s15  }
0x7: {  	_ =	strace $0x80000047;
	s6 =	sadd.s32 $0x1400, s5;
	s5 =	simm.s32 $0x2  }
0x8: {  	[tilespmem:s4], [sflag:$0x2] =	stream.linear.gather [hbm4b:s6+s4], $0x10, $0x38;
	[tilespmem:$0x2100] =	vst v63  }
0x9: {  	_ =	swait.ge [sflag:s5], $0x10  }
0xa: {  	s7 =	simm.s32 $0x10;
	[sflag:s5] =	ssyncset.done $0x0  }
0xb: {  	s8 =	simm.s32 $0x80;
	s9 =	simm.s32 $0x1;
	[sflag:s5] =	ssyncadd.s32 $0xFFFFFFF0  }
0xc: {  	[tilespmem:s8], [sflag:$0x1] =	stream.indirect.gather [hbm4b:s2+s7], $0x1, s4, s7, $0xb8;
	[tilespmem:$0x2100] =	vst v63  }
0xd: {  	_ =	swait.ge [sflag:s9], $0x10  }
0xe: {  	[sflag:s9] =	ssyncset.done $0x0  }
0xf: {  	[sflag:s9] =	ssyncadd.s32 $0xFFFFFFF0  }
0x10: {  	v0 =	vld [tilespmem:$0x80];
	_ =	sdelay $0x4  }
0x11: {  	v1 =	vshll.u32 v0, $0x2  }
0x12: {  	v2 =	vlaneseq.u32;
	v3 =	vand.u32 $0x7, v0;
	v1 =	vand.u32 $0xFFFFFFE0, v1  }
0x13: {  	v4 =	vshrl.u32 v2, $0x3;
	v0 =	vand.u32 $0x7, v2;
	v3 =	vor.u32 v3, v1  }
0x14: {  	v1 =	vmul.u32 $0x8, v4;
	v63 =	vperm.xlane v3, v0;
	_ =	sdelay $0x1  }
0x15: {  	v4 =	vadd.s32 v1, v63  }
0x16: {  	v2 =	vor.u32 $0x8, v2  }
0x17: {  	v3 =	vperm.xlane v3, v2;
	_ =	sdelay $0x1  }
0x18: {  	vm0 =	vmmov $0xffff;
	s10 =	simm.s32 $0x100;
	s17 =	ssub.s32 $0x2, s14;
	v3 =	vadd.s32 v1, v3  }
0x19: {  	[tilespmem:s10], [sflag:$0x1] =	stream.indirect_vreg.gather [hbm4b:s3+s4], $0x80, v4, vm0, $0xb8;
	[tilespmem:$0x2100] =	vst v63  }
0x1a: {  	s12 =	simm.s32 $0x900;
	s11 =	sadd.s32 $0x100, s3;
	s18 =	sshrl.u32 s17, $0x1  }
0x1b: {  	[tilespmem:s12], [sflag:$0x1] =	stream.indirect_vreg.gather [hbm4b:s11+s4], $0x80, v4, vm0, $0xb8;
	[tilespmem:$0x2100] =	vst v63  }
0x1c: {  	s13 =	simm.s32 $0x1100;
	s16 =	sshll.u32 s16, $0x6;
	s31 =	ssub.s32 s17, s18  }
0x1d: {  	[tilespmem:s13], [sflag:$0x1] =	stream.indirect_vreg.gather [hbm4b:s3+s4], $0x80, v3, vm0, $0xb8;
	[tilespmem:$0x2100] =	vst v63  }
0x1e: {  	s14 =	simm.s32 $0x1900;
	s15 =	sadd.s32 s16, s15;
	s16 =	smax.u32 s31, $0x1  }
0x1f: {  	[tilespmem:s14], [sflag:$0x1] =	stream.indirect_vreg.gather [hbm4b:s11+s4], $0x80, v3, vm0, $0xb8;
	[tilespmem:$0x2100] =	vst v63  }
0x20: {  	p0 =	sne.s32 s16, $0x1;
	_ =	swait.ge [sflag:s9], $0x2000  }
.Ltmp0:
0x21: {  	[sflag:s9] =	ssyncset.done $0x0;
	(pc) =	sbr.rel @!p0 .LBB2_2-.Ltmp0, $4  }
0x22: {  	s15 =	sadd.s32 $0x1600, s15;
	[sflag:s9] =	ssyncadd.s32 $0xFFFFE000  }
0x23: {  	[hbm4b:s15+s4] =	stream.linear.scatter [tilespmem:s10], [sflag:$0x2], $0x2000, $0x38;
	[tilespmem:$0x2100] =	vst v63  }
0x24: {  	_ =	swait.ge [sflag:s5], $0x2000  }
0x25: {  	s16 =	sadd.s32 $0xFFFFFFFF, s16;
	[sflag:s5] =	ssyncset.done $0x0  }
.LBB2_1:
0x26: {  	p0 =	sne.s32 s16, $0x1;
	s16 =	sadd.s32 $0xFFFFFFFF, s16;
	[sflag:s5] =	ssyncadd.s32 $0xFFFFE000  }
0x27: {  	[tilespmem:s4], [sflag:$0x2] =	stream.linear.gather [hbm4b:s6+s4], $0x10, $0x38;
	[tilespmem:$0x2100] =	vst v63  }
0x28: {  	_ =	swait.ge [sflag:s5], $0x10  }
0x29: {  	[sflag:s5] =	ssyncset.done $0x0  }
0x2a: {  	[sflag:s5] =	ssyncadd.s32 $0xFFFFFFF0  }
0x2b: {  	[tilespmem:s8], [sflag:$0x1] =	stream.indirect.gather [hbm4b:s2+s7], $0x1, s4, s7, $0xb8;
	[tilespmem:$0x2100] =	vst v63  }
0x2c: {  	_ =	swait.ge [sflag:s9], $0x10  }
0x2d: {  	[sflag:s9] =	ssyncset.done $0x0  }
0x2e: {  	[sflag:s9] =	ssyncadd.s32 $0xFFFFFFF0  }
0x2f: {  	v3 =	vld [tilespmem:$0x80];
	_ =	sdelay $0x4  }
0x30: {  	v4 =	vshll.u32 v3, $0x2  }
0x31: {  	v3 =	vand.u32 $0x7, v3;
	v4 =	vand.u32 $0xFFFFFFE0, v4  }
0x32: {  	v3 =	vor.u32 v3, v4  }
0x33: {  	v4 =	vperm.xlane v3, v0;
	v3 =	vperm.xlane v3, v2;
	_ =	sdelay $0x1  }
0x34: {  	v4 =	vadd.s32 v1, v4;
	_ =	sdelay $0x3  }
0x35: {  	v3 =	vadd.s32 v1, v3  }
0x36: {  	[tilespmem:s10], [sflag:$0x1] =	stream.indirect_vreg.gather [hbm4b:s3+s4], $0x80, v4, vm0, $0xb8;
	[tilespmem:$0x2100] =	vst v63  }
0x37: {  	_ = 	snop  }
0x38: {  	[tilespmem:s12], [sflag:$0x1] =	stream.indirect_vreg.gather [hbm4b:s11+s4], $0x80, v4, vm0, $0xb8;
	[tilespmem:$0x2100] =	vst v63  }
0x39: {  	_ = 	snop  }
0x3a: {  	[tilespmem:s13], [sflag:$0x1] =	stream.indirect_vreg.gather [hbm4b:s3+s4], $0x80, v3, vm0, $0xb8;
	[tilespmem:$0x2100] =	vst v63  }
0x3b: {  	_ = 	snop  }
0x3c: {  	[tilespmem:s14], [sflag:$0x1] =	stream.indirect_vreg.gather [hbm4b:s11+s4], $0x80, v3, vm0, $0xb8;
	[tilespmem:$0x2100] =	vst v63  }
0x3d: {  	_ =	swait.ge [sflag:s9], $0x2000  }
.Ltmp1:
0x3e: {  	[sflag:s9] =	ssyncset.done $0x0;
	(pc) =	sbr.rel @p0 .LBB2_1-.Ltmp1, $4  }
0x3f: {  	[sflag:s9] =	ssyncadd.s32 $0xFFFFE000  }
0x40: {  	[hbm4b:s15+s4] =	stream.linear.scatter [tilespmem:s10], [sflag:$0x2], $0x2000, $0x38;
	[tilespmem:$0x2100] =	vst v63  }
0x41: {  	_ =	swait.ge [sflag:s5], $0x2000  }
0x42: {  	[sflag:s5] =	ssyncset.done $0x0  }
.LBB2_2:
0x43: {  	[sflag:s5] =	ssyncadd.s32 $0xFFFFE000  }
0x44: {  	_ =	sfence.sel $0x180000  }
0x45: {  	[bflag:$0x0] =	sbarrier.arrive $0xFFFF  }
0x46: {  	p0 =	sne.s32 s0, $0x0;
	_ =	strace $0x90000047  }
0x47: {  	s0 =	sadd.s32 @!p0 $0x100000, s1;
	[bflag:$0x2] =	sbarrier.arrive $0xFFFF  }
0x48: {  	[sflag:s0] =	ssyncadd.tile.s32 @!p0 $0x1;
	_ =	shalt  }
.Lfunc_end2:
_tile_overlayer_lowered:
.L_overlay_start_2:
0x49: {  	(tag) =	ssettag $0x2  }
0x4a: {  	s0 =	rddreg [dreg:$0x0];
	s2 =	stileid.u32  }
0x4b: {  	s1 =	rddreg [dreg:$0x1];
	p0 =	sne.s32 s2, $0x0  }
0x4c: {  	s3 =	rddreg [dreg:$0x2];
	[bflag:$0x3] =	sbarrier.arrive $0xFFFF;
	s2 =	simm.s32 @!p0 $0x1C02  }
0x4d: {  	[timem:s3], [sflag:s2] =	dma.local @!p0 [hbm:s0], s1  }
0x4e: {  	s0 =	simm.s32 @!p0 $0x2  }
0x4f: {  	_ =	swait.ge @!p0 [sflag:s0], s1  }
0x50: {  	s1 =	ssub.s32 @!p0 $0x0, s1;
	[sflag:s0] =	ssyncset.done @!p0 $0x0  }
0x51: {  	[sflag:s0] =	ssyncadd.s32 @!p0 s1  }
0x52: {  	[bflag:$0x3] =	sbarrier.arrive $0xFFFF  }
0x53: {  	_ =	shalt  }

</sc_bundles>
